<compile_context>
chip_gen: v7x
topology: tpu7x:2x2x1
jax: 0.10.2.dev20260603
libtpu: 0.0.44.dev20260713+nightly
codegen_flags: <defaults>
</compile_context>

<pallas_src>
import jax
import jax.numpy as jnp
from jax import lax
from jax.experimental import pallas as pl
from jax.experimental.pallas import tpu as pltpu
from jax.experimental.pallas import tpu_sc as plsc

B = 16
C = 145
H = 128
W = 128
HW = H * W
N = 2048
NW = 32
NDET = N // NW
NELEM = NDET * C
DGRP = 16
NGRP = NDET // DGRP
LANES = 16
NV = 10


def _sc_body(pm_hbm, cm_hbm, bid_hbm, hw_hbm, meta_hbm,
             out_params, out_conf, out_preds, out_reorg,
             idx1d, buf, bids_v, hw_v, base_v, cidx_v, conf_buf,
             meta_v, reorg_buf, preds_buf, sem, sem2, sem3):
    wid = lax.axis_index("s") * 2 + lax.axis_index("c")
    det0 = wid * NDET

    cp_b = pltpu.async_copy(bid_hbm.at[pl.ds(det0, NDET)], bids_v, sem2)
    cp_h = pltpu.async_copy(hw_hbm.at[pl.ds(det0, NDET)], hw_v, sem2)
    cp_m = pltpu.async_copy(meta_hbm, meta_v, sem2)
    cp_b.wait()
    cp_h.wait()
    cp_m.wait()

    zeros = lax.iota(jnp.int32, LANES) * 0

    for t in range(NDET // LANES):
        sl = pl.ds(t * LANES, LANES)
        cidx_v[sl] = bids_v[sl] * HW + hw_v[sl]
    cp_c = pltpu.async_copy(cm_hbm.at[cidx_v], conf_buf, sem3)

    for t in range(NDET // LANES):
        sl = pl.ds(t * LANES, LANES)
        b = bids_v[sl]
        hw = hw_v[sl]
        base_v[sl] = b * (C * HW) + hw
        reorg_buf[sl] = plsc.load_gather(meta_v, [b])
        px = (hw & (W - 1)).astype(jnp.float32) * 4.0
        py = lax.shift_right_logical(hw, 7).astype(jnp.float32) * 4.0
        pos = lax.iota(jnp.int32, LANES) * 2 + t * 2 * LANES
        plsc.store_scatter(preds_buf, [pos], px)
        plsc.store_scatter(preds_buf, [pos + 1], py)

    iot = lax.iota(jnp.int32, LANES)
    cpos = [iot + (v * LANES if v < NV - 1 else C - LANES) for v in range(NV)]
    chw = [c * HW for c in cpos]

    def gen_fire(g, _):
        for k in range(DGRP):
            n = g * DGRP + k
            n_spl = zeros + n
            bse = plsc.load_gather(base_v, [n_spl])
            p145 = n_spl * C
            for v in range(NV):
                plsc.store_scatter(idx1d, [p145 + cpos[v]], bse + chw[v])
        pltpu.async_copy(
            pm_hbm.at[idx1d.at[pl.ds(pl.multiple_of(g * DGRP * C, 8),
                                     DGRP * C)]],
            buf.at[pl.ds(pl.multiple_of(g * DGRP * C, 8), DGRP * C)],
            sem)
        return 0

    lax.fori_loop(0, NGRP, gen_fire, 0)

    cp_p = pltpu.async_copy(preds_buf, out_preds.at[pl.ds(det0 * 2, NDET * 2)],
                            sem2)
    cp_r = pltpu.async_copy(reorg_buf, out_reorg.at[pl.ds(det0, NDET)], sem2)
    cp_c.wait()
    cp_co = pltpu.async_copy(conf_buf, out_conf.at[pl.ds(det0, NDET)], sem2)

    def drain(g, _):
        o = pl.multiple_of(g * DGRP * C, 8)
        pltpu.make_async_copy(
            pm_hbm.at[idx1d.at[pl.ds(o, DGRP * C)]],
            buf.at[pl.ds(o, DGRP * C)],
            sem).wait()
        pltpu.async_copy(buf.at[pl.ds(o, DGRP * C)],
                         out_params.at[pl.ds(det0 * C + o, DGRP * C)],
                         sem2)
        return 0

    lax.fori_loop(0, NGRP, drain, 0)

    def drain_out(g, _):
        o = pl.multiple_of(g * DGRP * C, 8)
        pltpu.make_async_copy(buf.at[pl.ds(o, DGRP * C)],
                              out_params.at[pl.ds(det0 * C + o, DGRP * C)],
                              sem2).wait()
        return 0

    lax.fori_loop(0, NGRP, drain_out, 0)
    cp_p.wait()
    cp_r.wait()
    cp_co.wait()


@jax.jit
def kernel(params_maps, center_map, batch_ids, flat_inds, meta_batch_ids):
    pm_flat = params_maps.reshape(-1)
    cm_flat = center_map.reshape(-1)

    mesh = plsc.VectorSubcoreMesh(core_axis_name="c", subcore_axis_name="s")
    run = pl.kernel(
        _sc_body,
        out_type=(
            jax.ShapeDtypeStruct((N * C,), jnp.float32),
            jax.ShapeDtypeStruct((N,), jnp.float32),
            jax.ShapeDtypeStruct((N * 2,), jnp.float32),
            jax.ShapeDtypeStruct((N,), jnp.int32),
        ),
        mesh=mesh,
        compiler_params=pltpu.CompilerParams(needs_layout_passes=False),
        scratch_types=[
            pltpu.VMEM((NELEM,), jnp.int32),
            pltpu.VMEM((NELEM,), jnp.float32),
            pltpu.VMEM((NDET,), jnp.int32),
            pltpu.VMEM((NDET,), jnp.int32),
            pltpu.VMEM((NDET,), jnp.int32),
            pltpu.VMEM((NDET,), jnp.int32),
            pltpu.VMEM((NDET,), jnp.float32),
            pltpu.VMEM((B,), jnp.int32),
            pltpu.VMEM((NDET,), jnp.int32),
            pltpu.VMEM((NDET * 2,), jnp.float32),
            pltpu.SemaphoreType.DMA,
            pltpu.SemaphoreType.DMA,
            pltpu.SemaphoreType.DMA,
        ],
    )
    params_flat, conf, preds, reorg = run(
        pm_flat, cm_flat, batch_ids, flat_inds, meta_batch_ids)

    params_pred = params_flat.reshape(N, C)
    center_preds = preds.reshape(N, 2)
    center_confs = conf.reshape(N, 1)
    return params_pred, center_preds, center_confs, reorg

# --- scband reference (transcript-rebuilt; emitter-appended) ---
"""Pipeline reference for scband-temp-result-parser-41910290874561 (READ-ONLY COPY).

The authoritative reference and input builder live on the scoring server;
editing this copy changes nothing except your own understanding.
"""

import jax, jax.numpy as jnp
import numpy as np

MAP_SIZE = 128


def setup_inputs(seed: int = 0) -> dict:
    key = jax.random.key(seed)
    k1, k2, k3, k4 = jax.random.split(key, 4)
    B, C, H, W = 16, 145, 128, 128
    N = 2048
    params_maps = jax.random.normal(k1, (B, C, H, W), dtype=jnp.float32)
    center_map = jax.random.uniform(k2, (B, 1, H, W), dtype=jnp.float32)
    batch_ids = jax.random.randint(k3, (N,), 0, B, dtype=jnp.int64 if jax.config.jax_enable_x64 else jnp.int32).astype(jnp.int32)
    flat_inds = jax.random.randint(k4, (N,), 0, H * W, dtype=jnp.int32)
    meta_batch_ids = jnp.arange(B, dtype=jnp.int32)
    return {
        'params_maps': params_maps,
        'center_map': center_map,
        'batch_ids': batch_ids,
        'flat_inds': flat_inds,
        'meta_batch_ids': meta_batch_ids,
    }


def _parameter_sampling(maps, batch_ids, flat_inds):
    # maps: [B, C, H, W] -> [B, H*W, C], then gather rows per detection
    B, C = maps.shape[:2]
    maps = maps.reshape(B, C, -1).transpose(0, 2, 1)
    return maps[batch_ids, flat_inds]


def reference(params_maps, center_map, batch_ids, flat_inds, meta_batch_ids):
    # parse_maps path: centers already detected (batch_ids, flat_inds given)
    params_pred = _parameter_sampling(params_maps, batch_ids, flat_inds)
    center_preds = jnp.stack([flat_inds % MAP_SIZE, flat_inds // MAP_SIZE], axis=1).astype(jnp.float32) * 512.0 / 128.0
    center_confs = _parameter_sampling(center_map, batch_ids, flat_inds)
    reorganize_idx = meta_batch_ids[batch_ids]
    return params_pred, center_preds, center_confs, reorganize_idx

if __name__ == "__main__":
    import jax
    _d = setup_inputs()
    print(jax.jit(kernel)(*tuple(_d.values())))

</pallas_src>

<mosaic_0001>
#map = affine_map<(d0, d1) -> (0)>
module attributes {stable_mosaic.version = 14 : i64} {
  func.func @_sc_body(%arg0: i32, %arg1: i32, %arg2: memref<38010880xf32, #tpu.memory_space<hbm>>, %arg3: memref<262144xf32, #tpu.memory_space<hbm>>, %arg4: memref<2048xi32, #tpu.memory_space<hbm>>, %arg5: memref<2048xi32, #tpu.memory_space<hbm>>, %arg6: memref<16xi32, #tpu.memory_space<hbm>>, %arg7: memref<296960xf32, #tpu.memory_space<hbm>>, %arg8: memref<2048xf32, #tpu.memory_space<hbm>>, %arg9: memref<4096xf32, #tpu.memory_space<hbm>>, %arg10: memref<2048xi32, #tpu.memory_space<hbm>>, %arg11: memref<9280xi32, #tpu.memory_space<vmem>>, %arg12: memref<9280xf32, #tpu.memory_space<vmem>>, %arg13: memref<64xi32, #tpu.memory_space<vmem>>, %arg14: memref<64xi32, #tpu.memory_space<vmem>>, %arg15: memref<64xi32, #tpu.memory_space<vmem>>, %arg16: memref<64xi32, #tpu.memory_space<vmem>>, %arg17: memref<64xf32, #tpu.memory_space<vmem>>, %arg18: memref<16xi32, #tpu.memory_space<vmem>>, %arg19: memref<64xi32, #tpu.memory_space<vmem>>, %arg20: memref<128xf32, #tpu.memory_space<vmem>>, %arg21: memref<!tpu.dma_semaphore, #tpu.memory_space<semaphore_mem>>, %arg22: memref<!tpu.dma_semaphore, #tpu.memory_space<semaphore_mem>>, %arg23: memref<!tpu.dma_semaphore, #tpu.memory_space<semaphore_mem>>) attributes {dimension_semantics = [#tpu.dimension_semantics<core_parallel>, #tpu.dimension_semantics<subcore_parallel>], iteration_bounds = array<i64: 2, 16>, scalar_prefetch = 0 : i64, scratch_operands = 13 : i64, tpu.core_type = #tpu.core_type<sc_vector_subcore>, window_params = [{transform_indices = #map}, {transform_indices = #map}, {transform_indices = #map}, {transform_indices = #map}, {transform_indices = #map}, {transform_indices = #map}, {transform_indices = #map}, {transform_indices = #map}, {transform_indices = #map}]} {
    %mul3A = arith.constant 2 : i32
    %mul3A_0 = arith.muli %arg1, %mul3A : i32
    %add3A = arith.addi %mul3A_0, %arg0 : i32
    %mul3A_1 = arith.constant 64 : i32
    %mul3A_2 = arith.muli %add3A, %mul3A_1 : i32
    %dma_start3A = tpu.memref_slice %arg4[%mul3A_2] : memref<2048xi32, #tpu.memory_space<hbm>> -> memref<64xi32, #tpu.memory_space<hbm>>
    %dma_start3A_3 = tpu.memref_slice %arg4[%mul3A_2] : memref<2048xi32, #tpu.memory_space<hbm>> -> memref<64xi32, #tpu.memory_space<hbm>>
    tpu.enqueue_dma source(%dma_start3A_3 : memref<64xi32, #tpu.memory_space<hbm>>) target(%arg13 : memref<64xi32, #tpu.memory_space<vmem>>) target_semaphore(%arg22 : memref<!tpu.dma_semaphore, #tpu.memory_space<semaphore_mem>>)
    %dma_start3A_4 = tpu.memref_slice %arg5[%mul3A_2] : memref<2048xi32, #tpu.memory_space<hbm>> -> memref<64xi32, #tpu.memory_space<hbm>>
    %dma_start3A_5 = tpu.memref_slice %arg5[%mul3A_2] : memref<2048xi32, #tpu.memory_space<hbm>> -> memref<64xi32, #tpu.memory_space<hbm>>
    tpu.enqueue_dma source(%dma_start3A_5 : memref<64xi32, #tpu.memory_space<hbm>>) target(%arg14 : memref<64xi32, #tpu.memory_space<vmem>>) target_semaphore(%arg22 : memref<!tpu.dma_semaphore, #tpu.memory_space<semaphore_mem>>)
    tpu.enqueue_dma source(%arg6 : memref<16xi32, #tpu.memory_space<hbm>>) target(%arg18 : memref<16xi32, #tpu.memory_space<vmem>>) target_semaphore(%arg22 : memref<!tpu.dma_semaphore, #tpu.memory_space<semaphore_mem>>)
    %dma_wait3A = tpu.memref_slice %arg4[%mul3A_2] : memref<2048xi32, #tpu.memory_space<hbm>> -> memref<64xi32, #tpu.memory_space<hbm>>
    %dma_wait3A_6 = tpu.memref_slice %arg4[%mul3A_2] : memref<2048xi32, #tpu.memory_space<hbm>> -> memref<64xi32, #tpu.memory_space<hbm>>
    tpu.wait_dma2 semaphore(%arg22 : memref<!tpu.dma_semaphore, #tpu.memory_space<semaphore_mem>>) src(%dma_wait3A_6 : memref<64xi32, #tpu.memory_space<hbm>>) dst(%arg13 : memref<64xi32, #tpu.memory_space<vmem>>)
    %dma_wait3A_7 = tpu.memref_slice %arg5[%mul3A_2] : memref<2048xi32, #tpu.memory_space<hbm>> -> memref<64xi32, #tpu.memory_space<hbm>>
    %dma_wait3A_8 = tpu.memref_slice %arg5[%mul3A_2] : memref<2048xi32, #tpu.memory_space<hbm>> -> memref<64xi32, #tpu.memory_space<hbm>>
    tpu.wait_dma2 semaphore(%arg22 : memref<!tpu.dma_semaphore, #tpu.memory_space<semaphore_mem>>) src(%dma_wait3A_8 : memref<64xi32, #tpu.memory_space<hbm>>) dst(%arg14 : memref<64xi32, #tpu.memory_space<vmem>>)
    tpu.wait_dma2 semaphore(%arg22 : memref<!tpu.dma_semaphore, #tpu.memory_space<semaphore_mem>>) src(%arg6 : memref<16xi32, #tpu.memory_space<hbm>>) dst(%arg18 : memref<16xi32, #tpu.memory_space<vmem>>)
    %iota3A = tpu.iota {dimensions = array<i32: 0>} : vector<16xi32>
    %mul3A_9 = arith.constant 0 : i32
    %mul3A_10 = vector.broadcast %mul3A_9 : i32 to vector<16xi32>
    %mul3A_11 = arith.muli %iota3A, %mul3A_10 : vector<16xi32>
    %get3A = arith.constant 0 : index
    %get3A_12 = tpu.vector_load %arg13[%get3A] {strides = array<i32>} : memref<64xi32, #tpu.memory_space<vmem>>, vector<16xi32>,
    %mul3A_13 = arith.constant 16384 : i32
    %mul3A_14 = vector.broadcast %mul3A_13 : i32 to vector<16xi32>
    %mul3A_15 = arith.muli %get3A_12, %mul3A_14 : vector<16xi32>
    %get3A_16 = arith.constant 0 : index
    %get3A_17 = tpu.vector_load %arg14[%get3A_16] {strides = array<i32>} : memref<64xi32, #tpu.memory_space<vmem>>, vector<16xi32>,
    %add3A_18 = arith.addi %mul3A_15, %get3A_17 : vector<16xi32>
    %swap3A = arith.constant 0 : index
    %swap3A_19 = tpu.vector_load %arg16[%swap3A] {strides = array<i32>} : memref<64xi32, #tpu.memory_space<vmem>>, vector<16xi32>,
    tpu.vector_store %arg16[%swap3A], %add3A_18 {strides = array<i32>} : memref<64xi32, #tpu.memory_space<vmem>>, vector<16xi32>,
    %get3A_20 = arith.constant 16 : index
    %get3A_21 = tpu.vector_load %arg13[%get3A_20] {strides = array<i32>} : memref<64xi32, #tpu.memory_space<vmem>>, vector<16xi32>,
    %mul3A_22 = arith.constant 16384 : i32
    %mul3A_23 = vector.broadcast %mul3A_22 : i32 to vector<16xi32>
    %mul3A_24 = arith.muli %get3A_21, %mul3A_23 : vector<16xi32>
    %get3A_25 = arith.constant 16 : index
    %get3A_26 = tpu.vector_load %arg14[%get3A_25] {strides = array<i32>} : memref<64xi32, #tpu.memory_space<vmem>>, vector<16xi32>,
    %add3A_27 = arith.addi %mul3A_24, %get3A_26 : vector<16xi32>
    %swap3A_28 = arith.constant 16 : index
    %swap3A_29 = tpu.vector_load %arg16[%swap3A_28] {strides = array<i32>} : memref<64xi32, #tpu.memory_space<vmem>>, vector<16xi32>,
    tpu.vector_store %arg16[%swap3A_28], %add3A_27 {strides = array<i32>} : memref<64xi32, #tpu.memory_space<vmem>>, vector<16xi32>,
    %get3A_30 = arith.constant 32 : index
    %get3A_31 = tpu.vector_load %arg13[%get3A_30] {strides = array<i32>} : memref<64xi32, #tpu.memory_space<vmem>>, vector<16xi32>,
    %mul3A_32 = arith.constant 16384 : i32
    %mul3A_33 = vector.broadcast %mul3A_32 : i32 to vector<16xi32>
    %mul3A_34 = arith.muli %get3A_31, %mul3A_33 : vector<16xi32>
    %get3A_35 = arith.constant 32 : index
    %get3A_36 = tpu.vector_load %arg14[%get3A_35] {strides = array<i32>} : memref<64xi32, #tpu.memory_space<vmem>>, vector<16xi32>,
    %add3A_37 = arith.addi %mul3A_34, %get3A_36 : vector<16xi32>
    %swap3A_38 = arith.constant 32 : index
    %swap3A_39 = tpu.vector_load %arg16[%swap3A_38] {strides = array<i32>} : memref<64xi32, #tpu.memory_space<vmem>>, vector<16xi32>,
    tpu.vector_store %arg16[%swap3A_38], %add3A_37 {strides = array<i32>} : memref<64xi32, #tpu.memory_space<vmem>>, vector<16xi32>,
    %get3A_40 = arith.constant 48 : index
    %get3A_41 = tpu.vector_load %arg13[%get3A_40] {strides = array<i32>} : memref<64xi32, #tpu.memory_space<vmem>>, vector<16xi32>,
    %mul3A_42 = arith.constant 16384 : i32
    %mul3A_43 = vector.broadcast %mul3A_42 : i32 to vector<16xi32>
    %mul3A_44 = arith.muli %get3A_41, %mul3A_43 : vector<16xi32>
    %get3A_45 = arith.constant 48 : index
    %get3A_46 = tpu.vector_load %arg14[%get3A_45] {strides = array<i32>} : memref<64xi32, #tpu.memory_space<vmem>>, vector<16xi32>,
    %add3A_47 = arith.addi %mul3A_44, %get3A_46 : vector<16xi32>
    %swap3A_48 = arith.constant 48 : index
    %swap3A_49 = tpu.vector_load %arg16[%swap3A_48] {strides = array<i32>} : memref<64xi32, #tpu.memory_space<vmem>>, vector<16xi32>,
    tpu.vector_store %arg16[%swap3A_48], %add3A_47 {strides = array<i32>} : memref<64xi32, #tpu.memory_space<vmem>>, vector<16xi32>,
    %dma_start3A_50 = arith.constant 0 : i32
    %dma_start3A_51 = tpu.memref_slice %arg3[%dma_start3A_50] : memref<262144xf32, #tpu.memory_space<hbm>> -> memref<262144xf32, #tpu.memory_space<hbm>>
    tpu.enqueue_indirect_dma source(%dma_start3A_51 : memref<262144xf32, #tpu.memory_space<hbm>>) target(%arg17 : memref<64xf32, #tpu.memory_space<vmem>>) offsets(%arg16 : memref<64xi32, #tpu.memory_space<vmem>>) semaphore(%arg23 : memref<!tpu.dma_semaphore, #tpu.memory_space<semaphore_mem>>)
    %get3A_52 = arith.constant 0 : index
    %get3A_53 = tpu.vector_load %arg13[%get3A_52] {strides = array<i32>} : memref<64xi32, #tpu.memory_space<vmem>>, vector<16xi32>,
    %get3A_54 = arith.constant 0 : index
    %get3A_55 = tpu.vector_load %arg14[%get3A_54] {strides = array<i32>} : memref<64xi32, #tpu.memory_space<vmem>>, vector<16xi32>,
    %mul3A_56 = arith.constant 2375680 : i32
    %mul3A_57 = vector.broadcast %mul3A_56 : i32 to vector<16xi32>
    %mul3A_58 = arith.muli %get3A_53, %mul3A_57 : vector<16xi32>
    %add3A_59 = arith.addi %mul3A_58, %get3A_55 : vector<16xi32>
    %swap3A_60 = arith.constant 0 : index
    %swap3A_61 = tpu.vector_load %arg15[%swap3A_60] {strides = array<i32>} : memref<64xi32, #tpu.memory_space<vmem>>, vector<16xi32>,
    tpu.vector_store %arg15[%swap3A_60], %add3A_59 {strides = array<i32>} : memref<64xi32, #tpu.memory_space<vmem>>, vector<16xi32>,
    %gather3A = tpu.vector_load_idx %arg18[%get3A_53] : memref<16xi32, #tpu.memory_space<vmem>>[vector<16xi32>], vector<16xi32>,
    %swap3A_62 = arith.constant 0 : index
    %swap3A_63 = tpu.vector_load %arg19[%swap3A_62] {strides = array<i32>} : memref<64xi32, #tpu.memory_space<vmem>>, vector<16xi32>,
    tpu.vector_store %arg19[%swap3A_62], %gather3A {strides = array<i32>} : memref<64xi32, #tpu.memory_space<vmem>>, vector<16xi32>,
    %and3A = arith.constant 127 : i32
    %and3A_64 = vector.broadcast %and3A : i32 to vector<16xi32>
    %and3A_65 = arith.andi %get3A_55, %and3A_64 : vector<16xi32>
    %convert_element_type3A = arith.sitofp %and3A_65 : vector<16xi32> to vector<16xf32>
    %mul3A_66 = arith.constant 4.000000e+00 : f32
    %mul3A_67 = vector.broadcast %mul3A_66 : f32 to vector<16xf32>
    %mul3A_68 = arith.mulf %convert_element_type3A, %mul3A_67 : vector<16xf32>
    %shift_right_logical3A = arith.constant 7 : i32
    %shift_right_logical3A_69 = vector.broadcast %shift_right_logical3A : i32 to vector<16xi32>
    %shift_right_logical3A_70 = arith.shrui %get3A_55, %shift_right_logical3A_69 : vector<16xi32>
    %convert_element_type3A_71 = arith.sitofp %shift_right_logical3A_70 : vector<16xi32> to vector<16xf32>
    %mul3A_72 = arith.constant 4.000000e+00 : f32
    %mul3A_73 = vector.broadcast %mul3A_72 : f32 to vector<16xf32>
    %mul3A_74 = arith.mulf %convert_element_type3A_71, %mul3A_73 : vector<16xf32>
    %iota3A_75 = tpu.iota {dimensions = array<i32: 0>} : vector<16xi32>
    %mul3A_76 = arith.constant 2 : i32
    %mul3A_77 = vector.broadcast %mul3A_76 : i32 to vector<16xi32>
    %mul3A_78 = arith.muli %iota3A_75, %mul3A_77 : vector<16xi32>
    %add3A_79 = arith.constant 0 : i32
    %add3A_80 = vector.broadcast %add3A_79 : i32 to vector<16xi32>
    %add3A_81 = arith.addi %mul3A_78, %add3A_80 : vector<16xi32>
    tpu.vector_store_idx %arg20[%add3A_81], %mul3A_68 : memref<128xf32, #tpu.memory_space<vmem>>[vector<16xi32>], vector<16xf32>,
    %add3A_82 = arith.constant 1 : i32
    %add3A_83 = vector.broadcast %add3A_82 : i32 to vector<16xi32>
    %add3A_84 = arith.addi %add3A_81, %add3A_83 : vector<16xi32>
    tpu.vector_store_idx %arg20[%add3A_84], %mul3A_74 : memref<128xf32, #tpu.memory_space<vmem>>[vector<16xi32>], vector<16xf32>,
    %get3A_85 = arith.constant 16 : index
    %get3A_86 = tpu.vector_load %arg13[%get3A_85] {strides = array<i32>} : memref<64xi32, #tpu.memory_space<vmem>>, vector<16xi32>,
    %get3A_87 = arith.constant 16 : index
    %get3A_88 = tpu.vector_load %arg14[%get3A_87] {strides = array<i32>} : memref<64xi32, #tpu.memory_space<vmem>>, vector<16xi32>,
    %mul3A_89 = arith.constant 2375680 : i32
    %mul3A_90 = vector.broadcast %mul3A_89 : i32 to vector<16xi32>
    %mul3A_91 = arith.muli %get3A_86, %mul3A_90 : vector<16xi32>
    %add3A_92 = arith.addi %mul3A_91, %get3A_88 : vector<16xi32>
    %swap3A_93 = arith.constant 16 : index
    %swap3A_94 = tpu.vector_load %arg15[%swap3A_93] {strides = array<i32>} : memref<64xi32, #tpu.memory_space<vmem>>, vector<16xi32>,
    tpu.vector_store %arg15[%swap3A_93], %add3A_92 {strides = array<i32>} : memref<64xi32, #tpu.memory_space<vmem>>, vector<16xi32>,
    %gather3A_95 = tpu.vector_load_idx %arg18[%get3A_86] : memref<16xi32, #tpu.memory_space<vmem>>[vector<16xi32>], vector<16xi32>,
    %swap3A_96 = arith.constant 16 : index
    %swap3A_97 = tpu.vector_load %arg19[%swap3A_96] {strides = array<i32>} : memref<64xi32, #tpu.memory_space<vmem>>, vector<16xi32>,
    tpu.vector_store %arg19[%swap3A_96], %gather3A_95 {strides = array<i32>} : memref<64xi32, #tpu.memory_space<vmem>>, vector<16xi32>,
    %and3A_98 = arith.constant 127 : i32
    %and3A_99 = vector.broadcast %and3A_98 : i32 to vector<16xi32>
    %and3A_100 = arith.andi %get3A_88, %and3A_99 : vector<16xi32>
    %convert_element_type3A_101 = arith.sitofp %and3A_100 : vector<16xi32> to vector<16xf32>
    %mul3A_102 = arith.constant 4.000000e+00 : f32
    %mul3A_103 = vector.broadcast %mul3A_102 : f32 to vector<16xf32>
    %mul3A_104 = arith.mulf %convert_element_type3A_101, %mul3A_103 : vector<16xf32>
    %shift_right_logical3A_105 = arith.constant 7 : i32
    %shift_right_logical3A_106 = vector.broadcast %shift_right_logical3A_105 : i32 to vector<16xi32>
    %shift_right_logical3A_107 = arith.shrui %get3A_88, %shift_right_logical3A_106 : vector<16xi32>
    %convert_element_type3A_108 = arith.sitofp %shift_right_logical3A_107 : vector<16xi32> to vector<16xf32>
    %mul3A_109 = arith.constant 4.000000e+00 : f32
    %mul3A_110 = vector.broadcast %mul3A_109 : f32 to vector<16xf32>
    %mul3A_111 = arith.mulf %convert_element_type3A_108, %mul3A_110 : vector<16xf32>
    %iota3A_112 = tpu.iota {dimensions = array<i32: 0>} : vector<16xi32>
    %mul3A_113 = arith.constant 2 : i32
    %mul3A_114 = vector.broadcast %mul3A_113 : i32 to vector<16xi32>
    %mul3A_115 = arith.muli %iota3A_112, %mul3A_114 : vector<16xi32>
    %add3A_116 = arith.constant 32 : i32
    %add3A_117 = vector.broadcast %add3A_116 : i32 to vector<16xi32>
    %add3A_118 = arith.addi %mul3A_115, %add3A_117 : vector<16xi32>
    tpu.vector_store_idx %arg20[%add3A_118], %mul3A_104 : memref<128xf32, #tpu.memory_space<vmem>>[vector<16xi32>], vector<16xf32>,
    %add3A_119 = arith.constant 1 : i32
    %add3A_120 = vector.broadcast %add3A_119 : i32 to vector<16xi32>
    %add3A_121 = arith.addi %add3A_118, %add3A_120 : vector<16xi32>
    tpu.vector_store_idx %arg20[%add3A_121], %mul3A_111 : memref<128xf32, #tpu.memory_space<vmem>>[vector<16xi32>], vector<16xf32>,
    %get3A_122 = arith.constant 32 : index
    %get3A_123 = tpu.vector_load %arg13[%get3A_122] {strides = array<i32>} : memref<64xi32, #tpu.memory_space<vmem>>, vector<16xi32>,
    %get3A_124 = arith.constant 32 : index
    %get3A_125 = tpu.vector_load %arg14[%get3A_124] {strides = array<i32>} : memref<64xi32, #tpu.memory_space<vmem>>, vector<16xi32>,
    %mul3A_126 = arith.constant 2375680 : i32
    %mul3A_127 = vector.broadcast %mul3A_126 : i32 to vector<16xi32>
    %mul3A_128 = arith.muli %get3A_123, %mul3A_127 : vector<16xi32>
    %add3A_129 = arith.addi %mul3A_128, %get3A_125 : vector<16xi32>
    %swap3A_130 = arith.constant 32 : index
    %swap3A_131 = tpu.vector_load %arg15[%swap3A_130] {strides = array<i32>} : memref<64xi32, #tpu.memory_space<vmem>>, vector<16xi32>,
    tpu.vector_store %arg15[%swap3A_130], %add3A_129 {strides = array<i32>} : memref<64xi32, #tpu.memory_space<vmem>>, vector<16xi32>,
    %gather3A_132 = tpu.vector_load_idx %arg18[%get3A_123] : memref<16xi32, #tpu.memory_space<vmem>>[vector<16xi32>], vector<16xi32>,
    %swap3A_133 = arith.constant 32 : index
    %swap3A_134 = tpu.vector_load %arg19[%swap3A_133] {strides = array<i32>} : memref<64xi32, #tpu.memory_space<vmem>>, vector<16xi32>,
    tpu.vector_store %arg19[%swap3A_133], %gather3A_132 {strides = array<i32>} : memref<64xi32, #tpu.memory_space<vmem>>, vector<16xi32>,
    %and3A_135 = arith.constant 127 : i32
    %and3A_136 = vector.broadcast %and3A_135 : i32 to vector<16xi32>
    %and3A_137 = arith.andi %get3A_125, %and3A_136 : vector<16xi32>
    %convert_element_type3A_138 = arith.sitofp %and3A_137 : vector<16xi32> to vector<16xf32>
    %mul3A_139 = arith.constant 4.000000e+00 : f32
    %mul3A_140 = vector.broadcast %mul3A_139 : f32 to vector<16xf32>
    %mul3A_141 = arith.mulf %convert_element_type3A_138, %mul3A_140 : vector<16xf32>
    %shift_right_logical3A_142 = arith.constant 7 : i32
    %shift_right_logical3A_143 = vector.broadcast %shift_right_logical3A_142 : i32 to vector<16xi32>
    %shift_right_logical3A_144 = arith.shrui %get3A_125, %shift_right_logical3A_143 : vector<16xi32>
    %convert_element_type3A_145 = arith.sitofp %shift_right_logical3A_144 : vector<16xi32> to vector<16xf32>
    %mul3A_146 = arith.constant 4.000000e+00 : f32
    %mul3A_147 = vector.broadcast %mul3A_146 : f32 to vector<16xf32>
    %mul3A_148 = arith.mulf %convert_element_type3A_145, %mul3A_147 : vector<16xf32>
    %iota3A_149 = tpu.iota {dimensions = array<i32: 0>} : vector<16xi32>
    %mul3A_150 = arith.constant 2 : i32
    %mul3A_151 = vector.broadcast %mul3A_150 : i32 to vector<16xi32>
    %mul3A_152 = arith.muli %iota3A_149, %mul3A_151 : vector<16xi32>
    %add3A_153 = arith.constant 64 : i32
    %add3A_154 = vector.broadcast %add3A_153 : i32 to vector<16xi32>
    %add3A_155 = arith.addi %mul3A_152, %add3A_154 : vector<16xi32>
    tpu.vector_store_idx %arg20[%add3A_155], %mul3A_141 : memref<128xf32, #tpu.memory_space<vmem>>[vector<16xi32>], vector<16xf32>,
    %add3A_156 = arith.constant 1 : i32
    %add3A_157 = vector.broadcast %add3A_156 : i32 to vector<16xi32>
    %add3A_158 = arith.addi %add3A_155, %add3A_157 : vector<16xi32>
    tpu.vector_store_idx %arg20[%add3A_158], %mul3A_148 : memref<128xf32, #tpu.memory_space<vmem>>[vector<16xi32>], vector<16xf32>,
    %get3A_159 = arith.constant 48 : index
    %get3A_160 = tpu.vector_load %arg13[%get3A_159] {strides = array<i32>} : memref<64xi32, #tpu.memory_space<vmem>>, vector<16xi32>,
    %get3A_161 = arith.constant 48 : index
    %get3A_162 = tpu.vector_load %arg14[%get3A_161] {strides = array<i32>} : memref<64xi32, #tpu.memory_space<vmem>>, vector<16xi32>,
    %mul3A_163 = arith.constant 2375680 : i32
    %mul3A_164 = vector.broadcast %mul3A_163 : i32 to vector<16xi32>
    %mul3A_165 = arith.muli %get3A_160, %mul3A_164 : vector<16xi32>
    %add3A_166 = arith.addi %mul3A_165, %get3A_162 : vector<16xi32>
    %swap3A_167 = arith.constant 48 : index
    %swap3A_168 = tpu.vector_load %arg15[%swap3A_167] {strides = array<i32>} : memref<64xi32, #tpu.memory_space<vmem>>, vector<16xi32>,
    tpu.vector_store %arg15[%swap3A_167], %add3A_166 {strides = array<i32>} : memref<64xi32, #tpu.memory_space<vmem>>, vector<16xi32>,
    %gather3A_169 = tpu.vector_load_idx %arg18[%get3A_160] : memref<16xi32, #tpu.memory_space<vmem>>[vector<16xi32>], vector<16xi32>,
    %swap3A_170 = arith.constant 48 : index
    %swap3A_171 = tpu.vector_load %arg19[%swap3A_170] {strides = array<i32>} : memref<64xi32, #tpu.memory_space<vmem>>, vector<16xi32>,
    tpu.vector_store %arg19[%swap3A_170], %gather3A_169 {strides = array<i32>} : memref<64xi32, #tpu.memory_space<vmem>>, vector<16xi32>,
    %and3A_172 = arith.constant 127 : i32
    %and3A_173 = vector.broadcast %and3A_172 : i32 to vector<16xi32>
    %and3A_174 = arith.andi %get3A_162, %and3A_173 : vector<16xi32>
    %convert_element_type3A_175 = arith.sitofp %and3A_174 : vector<16xi32> to vector<16xf32>
    %mul3A_176 = arith.constant 4.000000e+00 : f32
    %mul3A_177 = vector.broadcast %mul3A_176 : f32 to vector<16xf32>
    %mul3A_178 = arith.mulf %convert_element_type3A_175, %mul3A_177 : vector<16xf32>
    %shift_right_logical3A_179 = arith.constant 7 : i32
    %shift_right_logical3A_180 = vector.broadcast %shift_right_logical3A_179 : i32 to vector<16xi32>
    %shift_right_logical3A_181 = arith.shrui %get3A_162, %shift_right_logical3A_180 : vector<16xi32>
    %convert_element_type3A_182 = arith.sitofp %shift_right_logical3A_181 : vector<16xi32> to vector<16xf32>
    %mul3A_183 = arith.constant 4.000000e+00 : f32
    %mul3A_184 = vector.broadcast %mul3A_183 : f32 to vector<16xf32>
    %mul3A_185 = arith.mulf %convert_element_type3A_182, %mul3A_184 : vector<16xf32>
    %iota3A_186 = tpu.iota {dimensions = array<i32: 0>} : vector<16xi32>
    %mul3A_187 = arith.constant 2 : i32
    %mul3A_188 = vector.broadcast %mul3A_187 : i32 to vector<16xi32>
    %mul3A_189 = arith.muli %iota3A_186, %mul3A_188 : vector<16xi32>
    %add3A_190 = arith.constant 96 : i32
    %add3A_191 = vector.broadcast %add3A_190 : i32 to vector<16xi32>
    %add3A_192 = arith.addi %mul3A_189, %add3A_191 : vector<16xi32>
    tpu.vector_store_idx %arg20[%add3A_192], %mul3A_178 : memref<128xf32, #tpu.memory_space<vmem>>[vector<16xi32>], vector<16xf32>,
    %add3A_193 = arith.constant 1 : i32
    %add3A_194 = vector.broadcast %add3A_193 : i32 to vector<16xi32>
    %add3A_195 = arith.addi %add3A_192, %add3A_194 : vector<16xi32>
    tpu.vector_store_idx %arg20[%add3A_195], %mul3A_185 : memref<128xf32, #tpu.memory_space<vmem>>[vector<16xi32>], vector<16xf32>,
    %iota3A_196 = tpu.iota {dimensions = array<i32: 0>} : vector<16xi32>
    %add3A_197 = arith.constant 0 : i32
    %add3A_198 = vector.broadcast %add3A_197 : i32 to vector<16xi32>
    %add3A_199 = arith.addi %iota3A_196, %add3A_198 : vector<16xi32>
    %add3A_200 = arith.constant 16 : i32
    %add3A_201 = vector.broadcast %add3A_200 : i32 to vector<16xi32>
    %add3A_202 = arith.addi %iota3A_196, %add3A_201 : vector<16xi32>
    %add3A_203 = arith.constant 32 : i32
    %add3A_204 = vector.broadcast %add3A_203 : i32 to vector<16xi32>
    %add3A_205 = arith.addi %iota3A_196, %add3A_204 : vector<16xi32>
    %add3A_206 = arith.constant 48 : i32
    %add3A_207 = vector.broadcast %add3A_206 : i32 to vector<16xi32>
    %add3A_208 = arith.addi %iota3A_196, %add3A_207 : vector<16xi32>
    %add3A_209 = arith.constant 64 : i32
    %add3A_210 = vector.broadcast %add3A_209 : i32 to vector<16xi32>
    %add3A_211 = arith.addi %iota3A_196, %add3A_210 : vector<16xi32>
    %add3A_212 = arith.constant 80 : i32
    %add3A_213 = vector.broadcast %add3A_212 : i32 to vector<16xi32>
    %add3A_214 = arith.addi %iota3A_196, %add3A_213 : vector<16xi32>
    %add3A_215 = arith.constant 96 : i32
    %add3A_216 = vector.broadcast %add3A_215 : i32 to vector<16xi32>
    %add3A_217 = arith.addi %iota3A_196, %add3A_216 : vector<16xi32>
    %add3A_218 = arith.constant 112 : i32
    %add3A_219 = vector.broadcast %add3A_218 : i32 to vector<16xi32>
    %add3A_220 = arith.addi %iota3A_196, %add3A_219 : vector<16xi32>
    %add3A_221 = arith.constant 128 : i32
    %add3A_222 = vector.broadcast %add3A_221 : i32 to vector<16xi32>
    %add3A_223 = arith.addi %iota3A_196, %add3A_222 : vector<16xi32>
    %add3A_224 = arith.constant 129 : i32
    %add3A_225 = vector.broadcast %add3A_224 : i32 to vector<16xi32>
    %add3A_226 = arith.addi %iota3A_196, %add3A_225 : vector<16xi32>
    %mul3A_227 = arith.constant 16384 : i32
    %mul3A_228 = vector.broadcast %mul3A_227 : i32 to vector<16xi32>
    %mul3A_229 = arith.muli %add3A_199, %mul3A_228 : vector<16xi32>
    %mul3A_230 = arith.constant 16384 : i32
    %mul3A_231 = vector.broadcast %mul3A_230 : i32 to vector<16xi32>
    %mul3A_232 = arith.muli %add3A_202, %mul3A_231 : vector<16xi32>
    %mul3A_233 = arith.constant 16384 : i32
    %mul3A_234 = vector.broadcast %mul3A_233 : i32 to vector<16xi32>
    %mul3A_235 = arith.muli %add3A_205, %mul3A_234 : vector<16xi32>
    %mul3A_236 = arith.constant 16384 : i32
    %mul3A_237 = vector.broadcast %mul3A_236 : i32 to vector<16xi32>
    %mul3A_238 = arith.muli %add3A_208, %mul3A_237 : vector<16xi32>
    %mul3A_239 = arith.constant 16384 : i32
    %mul3A_240 = vector.broadcast %mul3A_239 : i32 to vector<16xi32>
    %mul3A_241 = arith.muli %add3A_211, %mul3A_240 : vector<16xi32>
    %mul3A_242 = arith.constant 16384 : i32
    %mul3A_243 = vector.broadcast %mul3A_242 : i32 to vector<16xi32>
    %mul3A_244 = arith.muli %add3A_214, %mul3A_243 : vector<16xi32>
    %mul3A_245 = arith.constant 16384 : i32
    %mul3A_246 = vector.broadcast %mul3A_245 : i32 to vector<16xi32>
    %mul3A_247 = arith.muli %add3A_217, %mul3A_246 : vector<16xi32>
    %mul3A_248 = arith.constant 16384 : i32
    %mul3A_249 = vector.broadcast %mul3A_248 : i32 to vector<16xi32>
    %mul3A_250 = arith.muli %add3A_220, %mul3A_249 : vector<16xi32>
    %mul3A_251 = arith.constant 16384 : i32
    %mul3A_252 = vector.broadcast %mul3A_251 : i32 to vector<16xi32>
    %mul3A_253 = arith.muli %add3A_223, %mul3A_252 : vector<16xi32>
    %mul3A_254 = arith.constant 16384 : i32
    %mul3A_255 = vector.broadcast %mul3A_254 : i32 to vector<16xi32>
    %mul3A_256 = arith.muli %add3A_226, %mul3A_255 : vector<16xi32>
    %scan3A = arith.constant 0 : i32
    %scan3A_257 = arith.constant 0 : i32
    %scan3A_258 = arith.constant 4 : i32
    %scan3A_259 = arith.addi %scan3A_257, %scan3A_258 : i32
    %scan3A_260 = arith.constant 1 : i32
    %scan3A_261 = scf.for %scan3A_293 = %scan3A_257 to %scan3A_259 step %scan3A_260 iter_args(%scan3A_294 = %scan3A) -> (i32)  : i32 {
      %mul3A_295 = arith.constant 16 : i32
      %mul3A_296 = arith.muli %scan3A_293, %mul3A_295 : i32
      %add3A_297 = arith.constant 0 : i32
      %add3A_298 = arith.addi %mul3A_296, %add3A_297 : i32
      %add3A_299 = vector.broadcast %add3A_298 : i32 to vector<16xi32>
      %add3A_300 = arith.addi %mul3A_11, %add3A_299 : vector<16xi32>
      %gather3A_301 = tpu.vector_load_idx %arg15[%add3A_300] : memref<64xi32, #tpu.memory_space<vmem>>[vector<16xi32>], vector<16xi32>,
      %mul3A_302 = arith.constant 145 : i32
      %mul3A_303 = vector.broadcast %mul3A_302 : i32 to vector<16xi32>
      %mul3A_304 = arith.muli %add3A_300, %mul3A_303 : vector<16xi32>
      %add3A_305 = arith.addi %mul3A_304, %add3A_199 : vector<16xi32>
      %add3A_306 = arith.addi %gather3A_301, %mul3A_229 : vector<16xi32>
      tpu.vector_store_idx %arg11[%add3A_305], %add3A_306 : memref<9280xi32, #tpu.memory_space<vmem>>[vector<16xi32>], vector<16xi32>,
      %add3A_307 = arith.addi %mul3A_304, %add3A_202 : vector<16xi32>
      %add3A_308 = arith.addi %gather3A_301, %mul3A_232 : vector<16xi32>
      tpu.vector_store_idx %arg11[%add3A_307], %add3A_308 : memref<9280xi32, #tpu.memory_space<vmem>>[vector<16xi32>], vector<16xi32>,
      %add3A_309 = arith.addi %mul3A_304, %add3A_205 : vector<16xi32>
      %add3A_310 = arith.addi %gather3A_301, %mul3A_235 : vector<16xi32>
      tpu.vector_store_idx %arg11[%add3A_309], %add3A_310 : memref<9280xi32, #tpu.memory_space<vmem>>[vector<16xi32>], vector<16xi32>,
      %add3A_311 = arith.addi %mul3A_304, %add3A_208 : vector<16xi32>
      %add3A_312 = arith.addi %gather3A_301, %mul3A_238 : vector<16xi32>
      tpu.vector_store_idx %arg11[%add3A_311], %add3A_312 : memref<9280xi32, #tpu.memory_space<vmem>>[vector<16xi32>], vector<16xi32>,
      %add3A_313 = arith.addi %mul3A_304, %add3A_211 : vector<16xi32>
      %add3A_314 = arith.addi %gather3A_301, %mul3A_241 : vector<16xi32>
      tpu.vector_store_idx %arg11[%add3A_313], %add3A_314 : memref<9280xi32, #tpu.memory_space<vmem>>[vector<16xi32>], vector<16xi32>,
      %add3A_315 = arith.addi %mul3A_304, %add3A_214 : vector<16xi32>
      %add3A_316 = arith.addi %gather3A_301, %mul3A_244 : vector<16xi32>
      tpu.vector_store_idx %arg11[%add3A_315], %add3A_316 : memref<9280xi32, #tpu.memory_space<vmem>>[vector<16xi32>], vector<16xi32>,
      %add3A_317 = arith.addi %mul3A_304, %add3A_217 : vector<16xi32>
      %add3A_318 = arith.addi %gather3A_301, %mul3A_247 : vector<16xi32>
      tpu.vector_store_idx %arg11[%add3A_317], %add3A_318 : memref<9280xi32, #tpu.memory_space<vmem>>[vector<16xi32>], vector<16xi32>,
      %add3A_319 = arith.addi %mul3A_304, %add3A_220 : vector<16xi32>
      %add3A_320 = arith.addi %gather3A_301, %mul3A_250 : vector<16xi32>
      tpu.vector_store_idx %arg11[%add3A_319], %add3A_320 : memref<9280xi32, #tpu.memory_space<vmem>>[vector<16xi32>], vector<16xi32>,
      %add3A_321 = arith.addi %mul3A_304, %add3A_223 : vector<16xi32>
      %add3A_322 = arith.addi %gather3A_301, %mul3A_253 : vector<16xi32>
      tpu.vector_store_idx %arg11[%add3A_321], %add3A_322 : memref<9280xi32, #tpu.memory_space<vmem>>[vector<16xi32>], vector<16xi32>,
      %add3A_323 = arith.addi %mul3A_304, %add3A_226 : vector<16xi32>
      %add3A_324 = arith.addi %gather3A_301, %mul3A_256 : vector<16xi32>
      tpu.vector_store_idx %arg11[%add3A_323], %add3A_324 : memref<9280xi32, #tpu.memory_space<vmem>>[vector<16xi32>], vector<16xi32>,
      %mul3A_325 = arith.constant 16 : i32
      %mul3A_326 = arith.muli %scan3A_293, %mul3A_325 : i32
      %add3A_327 = arith.constant 1 : i32
      %add3A_328 = arith.addi %mul3A_326, %add3A_327 : i32
      %add3A_329 = vector.broadcast %add3A_328 : i32 to vector<16xi32>
      %add3A_330 = arith.addi %mul3A_11, %add3A_329 : vector<16xi32>
      %gather3A_331 = tpu.vector_load_idx %arg15[%add3A_330] : memref<64xi32, #tpu.memory_space<vmem>>[vector<16xi32>], vector<16xi32>,
      %mul3A_332 = arith.constant 145 : i32
      %mul3A_333 = vector.broadcast %mul3A_332 : i32 to vector<16xi32>
      %mul3A_334 = arith.muli %add3A_330, %mul3A_333 : vector<16xi32>
      %add3A_335 = arith.addi %mul3A_334, %add3A_199 : vector<16xi32>
      %add3A_336 = arith.addi %gather3A_331, %mul3A_229 : vector<16xi32>
      tpu.vector_store_idx %arg11[%add3A_335], %add3A_336 : memref<9280xi32, #tpu.memory_space<vmem>>[vector<16xi32>], vector<16xi32>,
      %add3A_337 = arith.addi %mul3A_334, %add3A_202 : vector<16xi32>
      %add3A_338 = arith.addi %gather3A_331, %mul3A_232 : vector<16xi32>
      tpu.vector_store_idx %arg11[%add3A_337], %add3A_338 : memref<9280xi32, #tpu.memory_space<vmem>>[vector<16xi32>], vector<16xi32>,
      %add3A_339 = arith.addi %mul3A_334, %add3A_205 : vector<16xi32>
      %add3A_340 = arith.addi %gather3A_331, %mul3A_235 : vector<16xi32>
      tpu.vector_store_idx %arg11[%add3A_339], %add3A_340 : memref<9280xi32, #tpu.memory_space<vmem>>[vector<16xi32>], vector<16xi32>,
      %add3A_341 = arith.addi %mul3A_334, %add3A_208 : vector<16xi32>
      %add3A_342 = arith.addi %gather3A_331, %mul3A_238 : vector<16xi32>
      tpu.vector_store_idx %arg11[%add3A_341], %add3A_342 : memref<9280xi32, #tpu.memory_space<vmem>>[vector<16xi32>], vector<16xi32>,
      %add3A_343 = arith.addi %mul3A_334, %add3A_211 : vector<16xi32>
      %add3A_344 = arith.addi %gather3A_331, %mul3A_241 : vector<16xi32>
      tpu.vector_store_idx %arg11[%add3A_343], %add3A_344 : memref<9280xi32, #tpu.memory_space<vmem>>[vector<16xi32>], vector<16xi32>,
      %add3A_345 = arith.addi %mul3A_334, %add3A_214 : vector<16xi32>
      %add3A_346 = arith.addi %gather3A_331, %mul3A_244 : vector<16xi32>
      tpu.vector_store_idx %arg11[%add3A_345], %add3A_346 : memref<9280xi32, #tpu.memory_space<vmem>>[vector<16xi32>], vector<16xi32>,
      %add3A_347 = arith.addi %mul3A_334, %add3A_217 : vector<16xi32>
      %add3A_348 = arith.addi %gather3A_331, %mul3A_247 : vector<16xi32>
      tpu.vector_store_idx %arg11[%add3A_347], %add3A_348 : memref<9280xi32, #tpu.memory_space<vmem>>[vector<16xi32>], vector<16xi32>,
      %add3A_349 = arith.addi %mul3A_334, %add3A_220 : vector<16xi32>
      %add3A_350 = arith.addi %gather3A_331, %mul3A_250 : vector<16xi32>
      tpu.vector_store_idx %arg11[%add3A_349], %add3A_350 : memref<9280xi32, #tpu.memory_space<vmem>>[vector<16xi32>], vector<16xi32>,
      %add3A_351 = arith.addi %mul3A_334, %add3A_223 : vector<16xi32>
      %add3A_352 = arith.addi %gather3A_331, %mul3A_253 : vector<16xi32>
      tpu.vector_store_idx %arg11[%add3A_351], %add3A_352 : memref<9280xi32, #tpu.memory_space<vmem>>[vector<16xi32>], vector<16xi32>,
      %add3A_353 = arith.addi %mul3A_334, %add3A_226 : vector<16xi32>
      %add3A_354 = arith.addi %gather3A_331, %mul3A_256 : vector<16xi32>
      tpu.vector_store_idx %arg11[%add3A_353], %add3A_354 : memref<9280xi32, #tpu.memory_space<vmem>>[vector<16xi32>], vector<16xi32>,
      %mul3A_355 = arith.constant 16 : i32
      %mul3A_356 = arith.muli %scan3A_293, %mul3A_355 : i32
      %add3A_357 = arith.constant 2 : i32
      %add3A_358 = arith.addi %mul3A_356, %add3A_357 : i32
      %add3A_359 = vector.broadcast %add3A_358 : i32 to vector<16xi32>
      %add3A_360 = arith.addi %mul3A_11, %add3A_359 : vector<16xi32>
      %gather3A_361 = tpu.vector_load_idx %arg15[%add3A_360] : memref<64xi32, #tpu.memory_space<vmem>>[vector<16xi32>], vector<16xi32>,
      %mul3A_362 = arith.constant 145 : i32
      %mul3A_363 = vector.broadcast %mul3A_362 : i32 to vector<16xi32>
      %mul3A_364 = arith.muli %add3A_360, %mul3A_363 : vector<16xi32>
      %add3A_365 = arith.addi %mul3A_364, %add3A_199 : vector<16xi32>
      %add3A_366 = arith.addi %gather3A_361, %mul3A_229 : vector<16xi32>
      tpu.vector_store_idx %arg11[%add3A_365], %add3A_366 : memref<9280xi32, #tpu.memory_space<vmem>>[vector<16xi32>], vector<16xi32>,
      %add3A_367 = arith.addi %mul3A_364, %add3A_202 : vector<16xi32>
      %add3A_368 = arith.addi %gather3A_361, %mul3A_232 : vector<16xi32>
      tpu.vector_store_idx %arg11[%add3A_367], %add3A_368 : memref<9280xi32, #tpu.memory_space<vmem>>[vector<16xi32>], vector<16xi32>,
      %add3A_369 = arith.addi %mul3A_364, %add3A_205 : vector<16xi32>
      %add3A_370 = arith.addi %gather3A_361, %mul3A_235 : vector<16xi32>
      tpu.vector_store_idx %arg11[%add3A_369], %add3A_370 : memref<9280xi32, #tpu.memory_space<vmem>>[vector<16xi32>], vector<16xi32>,
      %add3A_371 = arith.addi %mul3A_364, %add3A_208 : vector<16xi32>
      %add3A_372 = arith.addi %gather3A_361, %mul3A_238 : vector<16xi32>
      tpu.vector_store_idx %arg11[%add3A_371], %add3A_372 : memref<9280xi32, #tpu.memory_space<vmem>>[vector<16xi32>], vector<16xi32>,
      %add3A_373 = arith.addi %mul3A_364, %add3A_211 : vector<16xi32>
      %add3A_374 = arith.addi %gather3A_361, %mul3A_241 : vector<16xi32>
      tpu.vector_store_idx %arg11[%add3A_373], %add3A_374 : memref<9280xi32, #tpu.memory_space<vmem>>[vector<16xi32>], vector<16xi32>,
      %add3A_375 = arith.addi %mul3A_364, %add3A_214 : vector<16xi32>
      %add3A_376 = arith.addi %gather3A_361, %mul3A_244 : vector<16xi32>
      tpu.vector_store_idx %arg11[%add3A_375], %add3A_376 : memref<9280xi32, #tpu.memory_space<vmem>>[vector<16xi32>], vector<16xi32>,
      %add3A_377 = arith.addi %mul3A_364, %add3A_217 : vector<16xi32>
      %add3A_378 = arith.addi %gather3A_361, %mul3A_247 : vector<16xi32>
      tpu.vector_store_idx %arg11[%add3A_377], %add3A_378 : memref<9280xi32, #tpu.memory_space<vmem>>[vector<16xi32>], vector<16xi32>,
      %add3A_379 = arith.addi %mul3A_364, %add3A_220 : vector<16xi32>
      %add3A_380 = arith.addi %gather3A_361, %mul3A_250 : vector<16xi32>
      tpu.vector_store_idx %arg11[%add3A_379], %add3A_380 : memref<9280xi32, #tpu.memory_space<vmem>>[vector<16xi32>], vector<16xi32>,
      %add3A_381 = arith.addi %mul3A_364, %add3A_223 : vector<16xi32>
      %add3A_382 = arith.addi %gather3A_361, %mul3A_253 : vector<16xi32>
      tpu.vector_store_idx %arg11[%add3A_381], %add3A_382 : memref<9280xi32, #tpu.memory_space<vmem>>[vector<16xi32>], vector<16xi32>,
      %add3A_383 = arith.addi %mul3A_364, %add3A_226 : vector<16xi32>
      %add3A_384 = arith.addi %gather3A_361, %mul3A_256 : vector<16xi32>
      tpu.vector_store_idx %arg11[%add3A_383], %add3A_384 : memref<9280xi32, #tpu.memory_space<vmem>>[vector<16xi32>], vector<16xi32>,
      %mul3A_385 = arith.constant 16 : i32
      %mul3A_386 = arith.muli %scan3A_293, %mul3A_385 : i32
      %add3A_387 = arith.constant 3 : i32
      %add3A_388 = arith.addi %mul3A_386, %add3A_387 : i32
      %add3A_389 = vector.broadcast %add3A_388 : i32 to vector<16xi32>
      %add3A_390 = arith.addi %mul3A_11, %add3A_389 : vector<16xi32>
      %gather3A_391 = tpu.vector_load_idx %arg15[%add3A_390] : memref<64xi32, #tpu.memory_space<vmem>>[vector<16xi32>], vector<16xi32>,
      %mul3A_392 = arith.constant 145 : i32
      %mul3A_393 = vector.broadcast %mul3A_392 : i32 to vector<16xi32>
      %mul3A_394 = arith.muli %add3A_390, %mul3A_393 : vector<16xi32>
      %add3A_395 = arith.addi %mul3A_394, %add3A_199 : vector<16xi32>
      %add3A_396 = arith.addi %gather3A_391, %mul3A_229 : vector<16xi32>
      tpu.vector_store_idx %arg11[%add3A_395], %add3A_396 : memref<9280xi32, #tpu.memory_space<vmem>>[vector<16xi32>], vector<16xi32>,
      %add3A_397 = arith.addi %mul3A_394, %add3A_202 : vector<16xi32>
      %add3A_398 = arith.addi %gather3A_391, %mul3A_232 : vector<16xi32>
      tpu.vector_store_idx %arg11[%add3A_397], %add3A_398 : memref<9280xi32, #tpu.memory_space<vmem>>[vector<16xi32>], vector<16xi32>,
      %add3A_399 = arith.addi %mul3A_394, %add3A_205 : vector<16xi32>
      %add3A_400 = arith.addi %gather3A_391, %mul3A_235 : vector<16xi32>
      tpu.vector_store_idx %arg11[%add3A_399], %add3A_400 : memref<9280xi32, #tpu.memory_space<vmem>>[vector<16xi32>], vector<16xi32>,
      %add3A_401 = arith.addi %mul3A_394, %add3A_208 : vector<16xi32>
      %add3A_402 = arith.addi %gather3A_391, %mul3A_238 : vector<16xi32>
      tpu.vector_store_idx %arg11[%add3A_401], %add3A_402 : memref<9280xi32, #tpu.memory_space<vmem>>[vector<16xi32>], vector<16xi32>,
      %add3A_403 = arith.addi %mul3A_394, %add3A_211 : vector<16xi32>
      %add3A_404 = arith.addi %gather3A_391, %mul3A_241 : vector<16xi32>
      tpu.vector_store_idx %arg11[%add3A_403], %add3A_404 : memref<9280xi32, #tpu.memory_space<vmem>>[vector<16xi32>], vector<16xi32>,
      %add3A_405 = arith.addi %mul3A_394, %add3A_214 : vector<16xi32>
      %add3A_406 = arith.addi %gather3A_391, %mul3A_244 : vector<16xi32>
      tpu.vector_store_idx %arg11[%add3A_405], %add3A_406 : memref<9280xi32, #tpu.memory_space<vmem>>[vector<16xi32>], vector<16xi32>,
      %add3A_407 = arith.addi %mul3A_394, %add3A_217 : vector<16xi32>
      %add3A_408 = arith.addi %gather3A_391, %mul3A_247 : vector<16xi32>
      tpu.vector_store_idx %arg11[%add3A_407], %add3A_408 : memref<9280xi32, #tpu.memory_space<vmem>>[vector<16xi32>], vector<16xi32>,
      %add3A_409 = arith.addi %mul3A_394, %add3A_220 : vector<16xi32>
      %add3A_410 = arith.addi %gather3A_391, %mul3A_250 : vector<16xi32>
      tpu.vector_store_idx %arg11[%add3A_409], %add3A_410 : memref<9280xi32, #tpu.memory_space<vmem>>[vector<16xi32>], vector<16xi32>,
      %add3A_411 = arith.addi %mul3A_394, %add3A_223 : vector<16xi32>
      %add3A_412 = arith.addi %gather3A_391, %mul3A_253 : vector<16xi32>
      tpu.vector_store_idx %arg11[%add3A_411], %add3A_412 : memref<9280xi32, #tpu.memory_space<vmem>>[vector<16xi32>], vector<16xi32>,
      %add3A_413 = arith.addi %mul3A_394, %add3A_226 : vector<16xi32>
      %add3A_414 = arith.addi %gather3A_391, %mul3A_256 : vector<16xi32>
      tpu.vector_store_idx %arg11[%add3A_413], %add3A_414 : memref<9280xi32, #tpu.memory_space<vmem>>[vector<16xi32>], vector<16xi32>,
      %mul3A_415 = arith.constant 16 : i32
      %mul3A_416 = arith.muli %scan3A_293, %mul3A_415 : i32
      %add3A_417 = arith.constant 4 : i32
      %add3A_418 = arith.addi %mul3A_416, %add3A_417 : i32
      %add3A_419 = vector.broadcast %add3A_418 : i32 to vector<16xi32>
      %add3A_420 = arith.addi %mul3A_11, %add3A_419 : vector<16xi32>
      %gather3A_421 = tpu.vector_load_idx %arg15[%add3A_420] : memref<64xi32, #tpu.memory_space<vmem>>[vector<16xi32>], vector<16xi32>,
      %mul3A_422 = arith.constant 145 : i32
      %mul3A_423 = vector.broadcast %mul3A_422 : i32 to vector<16xi32>
      %mul3A_424 = arith.muli %add3A_420, %mul3A_423 : vector<16xi32>
      %add3A_425 = arith.addi %mul3A_424, %add3A_199 : vector<16xi32>
      %add3A_426 = arith.addi %gather3A_421, %mul3A_229 : vector<16xi32>
      tpu.vector_store_idx %arg11[%add3A_425], %add3A_426 : memref<9280xi32, #tpu.memory_space<vmem>>[vector<16xi32>], vector<16xi32>,
      %add3A_427 = arith.addi %mul3A_424, %add3A_202 : vector<16xi32>
      %add3A_428 = arith.addi %gather3A_421, %mul3A_232 : vector<16xi32>
      tpu.vector_store_idx %arg11[%add3A_427], %add3A_428 : memref<9280xi32, #tpu.memory_space<vmem>>[vector<16xi32>], vector<16xi32>,
      %add3A_429 = arith.addi %mul3A_424, %add3A_205 : vector<16xi32>
      %add3A_430 = arith.addi %gather3A_421, %mul3A_235 : vector<16xi32>
      tpu.vector_store_idx %arg11[%add3A_429], %add3A_430 : memref<9280xi32, #tpu.memory_space<vmem>>[vector<16xi32>], vector<16xi32>,
      %add3A_431 = arith.addi %mul3A_424, %add3A_208 : vector<16xi32>
      %add3A_432 = arith.addi %gather3A_421, %mul3A_238 : vector<16xi32>
      tpu.vector_store_idx %arg11[%add3A_431], %add3A_432 : memref<9280xi32, #tpu.memory_space<vmem>>[vector<16xi32>], vector<16xi32>,
      %add3A_433 = arith.addi %mul3A_424, %add3A_211 : vector<16xi32>
      %add3A_434 = arith.addi %gather3A_421, %mul3A_241 : vector<16xi32>
      tpu.vector_store_idx %arg11[%add3A_433], %add3A_434 : memref<9280xi32, #tpu.memory_space<vmem>>[vector<16xi32>], vector<16xi32>,
      %add3A_435 = arith.addi %mul3A_424, %add3A_214 : vector<16xi32>
      %add3A_436 = arith.addi %gather3A_421, %mul3A_244 : vector<16xi32>
      tpu.vector_store_idx %arg11[%add3A_435], %add3A_436 : memref<9280xi32, #tpu.memory_space<vmem>>[vector<16xi32>], vector<16xi32>,
      %add3A_437 = arith.addi %mul3A_424, %add3A_217 : vector<16xi32>
      %add3A_438 = arith.addi %gather3A_421, %mul3A_247 : vector<16xi32>
      tpu.vector_store_idx %arg11[%add3A_437], %add3A_438 : memref<9280xi32, #tpu.memory_space<vmem>>[vector<16xi32>], vector<16xi32>,
      %add3A_439 = arith.addi %mul3A_424, %add3A_220 : vector<16xi32>
      %add3A_440 = arith.addi %gather3A_421, %mul3A_250 : vector<16xi32>
      tpu.vector_store_idx %arg11[%add3A_439], %add3A_440 : memref<9280xi32, #tpu.memory_space<vmem>>[vector<16xi32>], vector<16xi32>,
      %add3A_441 = arith.addi %mul3A_424, %add3A_223 : vector<16xi32>
      %add3A_442 = arith.addi %gather3A_421, %mul3A_253 : vector<16xi32>
      tpu.vector_store_idx %arg11[%add3A_441], %add3A_442 : memref<9280xi32, #tpu.memory_space<vmem>>[vector<16xi32>], vector<16xi32>,
      %add3A_443 = arith.addi %mul3A_424, %add3A_226 : vector<16xi32>
      %add3A_444 = arith.addi %gather3A_421, %mul3A_256 : vector<16xi32>
      tpu.vector_store_idx %arg11[%add3A_443], %add3A_444 : memref<9280xi32, #tpu.memory_space<vmem>>[vector<16xi32>], vector<16xi32>,
      %mul3A_445 = arith.constant 16 : i32
      %mul3A_446 = arith.muli %scan3A_293, %mul3A_445 : i32
      %add3A_447 = arith.constant 5 : i32
      %add3A_448 = arith.addi %mul3A_446, %add3A_447 : i32
      %add3A_449 = vector.broadcast %add3A_448 : i32 to vector<16xi32>
      %add3A_450 = arith.addi %mul3A_11, %add3A_449 : vector<16xi32>
      %gather3A_451 = tpu.vector_load_idx %arg15[%add3A_450] : memref<64xi32, #tpu.memory_space<vmem>>[vector<16xi32>], vector<16xi32>,
      %mul3A_452 = arith.constant 145 : i32
      %mul3A_453 = vector.broadcast %mul3A_452 : i32 to vector<16xi32>
      %mul3A_454 = arith.muli %add3A_450, %mul3A_453 : vector<16xi32>
      %add3A_455 = arith.addi %mul3A_454, %add3A_199 : vector<16xi32>
      %add3A_456 = arith.addi %gather3A_451, %mul3A_229 : vector<16xi32>
      tpu.vector_store_idx %arg11[%add3A_455], %add3A_456 : memref<9280xi32, #tpu.memory_space<vmem>>[vector<16xi32>], vector<16xi32>,
      %add3A_457 = arith.addi %mul3A_454, %add3A_202 : vector<16xi32>
      %add3A_458 = arith.addi %gather3A_451, %mul3A_232 : vector<16xi32>
      tpu.vector_store_idx %arg11[%add3A_457], %add3A_458 : memref<9280xi32, #tpu.memory_space<vmem>>[vector<16xi32>], vector<16xi32>,
      %add3A_459 = arith.addi %mul3A_454, %add3A_205 : vector<16xi32>
      %add3A_460 = arith.addi %gather3A_451, %mul3A_235 : vector<16xi32>
      tpu.vector_store_idx %arg11[%add3A_459], %add3A_460 : memref<9280xi32, #tpu.memory_space<vmem>>[vector<16xi32>], vector<16xi32>,
      %add3A_461 = arith.addi %mul3A_454, %add3A_208 : vector<16xi32>
      %add3A_462 = arith.addi %gather3A_451, %mul3A_238 : vector<16xi32>
      tpu.vector_store_idx %arg11[%add3A_461], %add3A_462 : memref<9280xi32, #tpu.memory_space<vmem>>[vector<16xi32>], vector<16xi32>,
      %add3A_463 = arith.addi %mul3A_454, %add3A_211 : vector<16xi32>
      %add3A_464 = arith.addi %gather3A_451, %mul3A_241 : vector<16xi32>
      tpu.vector_store_idx %arg11[%add3A_463], %add3A_464 : memref<9280xi32, #tpu.memory_space<vmem>>[vector<16xi32>], vector<16xi32>,
      %add3A_465 = arith.addi %mul3A_454, %add3A_214 : vector<16xi32>
      %add3A_466 = arith.addi %gather3A_451, %mul3A_244 : vector<16xi32>
      tpu.vector_store_idx %arg11[%add3A_465], %add3A_466 : memref<9280xi32, #tpu.memory_space<vmem>>[vector<16xi32>], vector<16xi32>,
      %add3A_467 = arith.addi %mul3A_454, %add3A_217 : vector<16xi32>
      %add3A_468 = arith.addi %gather3A_451, %mul3A_247 : vector<16xi32>
      tpu.vector_store_idx %arg11[%add3A_467], %add3A_468 : memref<9280xi32, #tpu.memory_space<vmem>>[vector<16xi32>], vector<16xi32>,
      %add3A_469 = arith.addi %mul3A_454, %add3A_220 : vector<16xi32>
      %add3A_470 = arith.addi %gather3A_451, %mul3A_250 : vector<16xi32>
      tpu.vector_store_idx %arg11[%add3A_469], %add3A_470 : memref<9280xi32, #tpu.memory_space<vmem>>[vector<16xi32>], vector<16xi32>,
      %add3A_471 = arith.addi %mul3A_454, %add3A_223 : vector<16xi32>
      %add3A_472 = arith.addi %gather3A_451, %mul3A_253 : vector<16xi32>
      tpu.vector_store_idx %arg11[%add3A_471], %add3A_472 : memref<9280xi32, #tpu.memory_space<vmem>>[vector<16xi32>], vector<16xi32>,
      %add3A_473 = arith.addi %mul3A_454, %add3A_226 : vector<16xi32>
      %add3A_474 = arith.addi %gather3A_451, %mul3A_256 : vector<16xi32>
      tpu.vector_store_idx %arg11[%add3A_473], %add3A_474 : memref<9280xi32, #tpu.memory_space<vmem>>[vector<16xi32>], vector<16xi32>,
      %mul3A_475 = arith.constant 16 : i32
      %mul3A_476 = arith.muli %scan3A_293, %mul3A_475 : i32
      %add3A_477 = arith.constant 6 : i32
      %add3A_478 = arith.addi %mul3A_476, %add3A_477 : i32
      %add3A_479 = vector.broadcast %add3A_478 : i32 to vector<16xi32>
      %add3A_480 = arith.addi %mul3A_11, %add3A_479 : vector<16xi32>
      %gather3A_481 = tpu.vector_load_idx %arg15[%add3A_480] : memref<64xi32, #tpu.memory_space<vmem>>[vector<16xi32>], vector<16xi32>,
      %mul3A_482 = arith.constant 145 : i32
      %mul3A_483 = vector.broadcast %mul3A_482 : i32 to vector<16xi32>
      %mul3A_484 = arith.muli %add3A_480, %mul3A_483 : vector<16xi32>
      %add3A_485 = arith.addi %mul3A_484, %add3A_199 : vector<16xi32>
      %add3A_486 = arith.addi %gather3A_481, %mul3A_229 : vector<16xi32>
      tpu.vector_store_idx %arg11[%add3A_485], %add3A_486 : memref<9280xi32, #tpu.memory_space<vmem>>[vector<16xi32>], vector<16xi32>,
      %add3A_487 = arith.addi %mul3A_484, %add3A_202 : vector<16xi32>
      %add3A_488 = arith.addi %gather3A_481, %mul3A_232 : vector<16xi32>
      tpu.vector_store_idx %arg11[%add3A_487], %add3A_488 : memref<9280xi32, #tpu.memory_space<vmem>>[vector<16xi32>], vector<16xi32>,
      %add3A_489 = arith.addi %mul3A_484, %add3A_205 : vector<16xi32>
      %add3A_490 = arith.addi %gather3A_481, %mul3A_235 : vector<16xi32>
      tpu.vector_store_idx %arg11[%add3A_489], %add3A_490 : memref<9280xi32, #tpu.memory_space<vmem>>[vector<16xi32>], vector<16xi32>,
      %add3A_491 = arith.addi %mul3A_484, %add3A_208 : vector<16xi32>
      %add3A_492 = arith.addi %gather3A_481, %mul3A_238 : vector<16xi32>
      tpu.vector_store_idx %arg11[%add3A_491], %add3A_492 : memref<9280xi32, #tpu.memory_space<vmem>>[vector<16xi32>], vector<16xi32>,
      %add3A_493 = arith.addi %mul3A_484, %add3A_211 : vector<16xi32>
      %add3A_494 = arith.addi %gather3A_481, %mul3A_241 : vector<16xi32>
      tpu.vector_store_idx %arg11[%add3A_493], %add3A_494 : memref<9280xi32, #tpu.memory_space<vmem>>[vector<16xi32>], vector<16xi32>,
      %add3A_495 = arith.addi %mul3A_484, %add3A_214 : vector<16xi32>
      %add3A_496 = arith.addi %gather3A_481, %mul3A_244 : vector<16xi32>
      tpu.vector_store_idx %arg11[%add3A_495], %add3A_496 : memref<9280xi32, #tpu.memory_space<vmem>>[vector<16xi32>], vector<16xi32>,
      %add3A_497 = arith.addi %mul3A_484, %add3A_217 : vector<16xi32>
      %add3A_498 = arith.addi %gather3A_481, %mul3A_247 : vector<16xi32>
      tpu.vector_store_idx %arg11[%add3A_497], %add3A_498 : memref<9280xi32, #tpu.memory_space<vmem>>[vector<16xi32>], vector<16xi32>,
      %add3A_499 = arith.addi %mul3A_484, %add3A_220 : vector<16xi32>
      %add3A_500 = arith.addi %gather3A_481, %mul3A_250 : vector<16xi32>
      tpu.vector_store_idx %arg11[%add3A_499], %add3A_500 : memref<9280xi32, #tpu.memory_space<vmem>>[vector<16xi32>], vector<16xi32>,
      %add3A_501 = arith.addi %mul3A_484, %add3A_223 : vector<16xi32>
      %add3A_502 = arith.addi %gather3A_481, %mul3A_253 : vector<16xi32>
      tpu.vector_store_idx %arg11[%add3A_501], %add3A_502 : memref<9280xi32, #tpu.memory_space<vmem>>[vector<16xi32>], vector<16xi32>,
      %add3A_503 = arith.addi %mul3A_484, %add3A_226 : vector<16xi32>
      %add3A_504 = arith.addi %gather3A_481, %mul3A_256 : vector<16xi32>
      tpu.vector_store_idx %arg11[%add3A_503], %add3A_504 : memref<9280xi32, #tpu.memory_space<vmem>>[vector<16xi32>], vector<16xi32>,
      %mul3A_505 = arith.constant 16 : i32
      %mul3A_506 = arith.muli %scan3A_293, %mul3A_505 : i32
      %add3A_507 = arith.constant 7 : i32
      %add3A_508 = arith.addi %mul3A_506, %add3A_507 : i32
      %add3A_509 = vector.broadcast %add3A_508 : i32 to vector<16xi32>
      %add3A_510 = arith.addi %mul3A_11, %add3A_509 : vector<16xi32>
      %gather3A_511 = tpu.vector_load_idx %arg15[%add3A_510] : memref<64xi32, #tpu.memory_space<vmem>>[vector<16xi32>], vector<16xi32>,
      %mul3A_512 = arith.constant 145 : i32
      %mul3A_513 = vector.broadcast %mul3A_512 : i32 to vector<16xi32>
      %mul3A_514 = arith.muli %add3A_510, %mul3A_513 : vector<16xi32>
      %add3A_515 = arith.addi %mul3A_514, %add3A_199 : vector<16xi32>
      %add3A_516 = arith.addi %gather3A_511, %mul3A_229 : vector<16xi32>
      tpu.vector_store_idx %arg11[%add3A_515], %add3A_516 : memref<9280xi32, #tpu.memory_space<vmem>>[vector<16xi32>], vector<16xi32>,
      %add3A_517 = arith.addi %mul3A_514, %add3A_202 : vector<16xi32>
      %add3A_518 = arith.addi %gather3A_511, %mul3A_232 : vector<16xi32>
      tpu.vector_store_idx %arg11[%add3A_517], %add3A_518 : memref<9280xi32, #tpu.memory_space<vmem>>[vector<16xi32>], vector<16xi32>,
      %add3A_519 = arith.addi %mul3A_514, %add3A_205 : vector<16xi32>
      %add3A_520 = arith.addi %gather3A_511, %mul3A_235 : vector<16xi32>
      tpu.vector_store_idx %arg11[%add3A_519], %add3A_520 : memref<9280xi32, #tpu.memory_space<vmem>>[vector<16xi32>], vector<16xi32>,
      %add3A_521 = arith.addi %mul3A_514, %add3A_208 : vector<16xi32>
      %add3A_522 = arith.addi %gather3A_511, %mul3A_238 : vector<16xi32>
      tpu.vector_store_idx %arg11[%add3A_521], %add3A_522 : memref<9280xi32, #tpu.memory_space<vmem>>[vector<16xi32>], vector<16xi32>,
      %add3A_523 = arith.addi %mul3A_514, %add3A_211 : vector<16xi32>
      %add3A_524 = arith.addi %gather3A_511, %mul3A_241 : vector<16xi32>
      tpu.vector_store_idx %arg11[%add3A_523], %add3A_524 : memref<9280xi32, #tpu.memory_space<vmem>>[vector<16xi32>], vector<16xi32>,
      %add3A_525 = arith.addi %mul3A_514, %add3A_214 : vector<16xi32>
      %add3A_526 = arith.addi %gather3A_511, %mul3A_244 : vector<16xi32>
      tpu.vector_store_idx %arg11[%add3A_525], %add3A_526 : memref<9280xi32, #tpu.memory_space<vmem>>[vector<16xi32>], vector<16xi32>,
      %add3A_527 = arith.addi %mul3A_514, %add3A_217 : vector<16xi32>
      %add3A_528 = arith.addi %gather3A_511, %mul3A_247 : vector<16xi32>
      tpu.vector_store_idx %arg11[%add3A_527], %add3A_528 : memref<9280xi32, #tpu.memory_space<vmem>>[vector<16xi32>], vector<16xi32>,
      %add3A_529 = arith.addi %mul3A_514, %add3A_220 : vector<16xi32>
      %add3A_530 = arith.addi %gather3A_511, %mul3A_250 : vector<16xi32>
      tpu.vector_store_idx %arg11[%add3A_529], %add3A_530 : memref<9280xi32, #tpu.memory_space<vmem>>[vector<16xi32>], vector<16xi32>,
      %add3A_531 = arith.addi %mul3A_514, %add3A_223 : vector<16xi32>
      %add3A_532 = arith.addi %gather3A_511, %mul3A_253 : vector<16xi32>
      tpu.vector_store_idx %arg11[%add3A_531], %add3A_532 : memref<9280xi32, #tpu.memory_space<vmem>>[vector<16xi32>], vector<16xi32>,
      %add3A_533 = arith.addi %mul3A_514, %add3A_226 : vector<16xi32>
      %add3A_534 = arith.addi %gather3A_511, %mul3A_256 : vector<16xi32>
      tpu.vector_store_idx %arg11[%add3A_533], %add3A_534 : memref<9280xi32, #tpu.memory_space<vmem>>[vector<16xi32>], vector<16xi32>,
      %mul3A_535 = arith.constant 16 : i32
      %mul3A_536 = arith.muli %scan3A_293, %mul3A_535 : i32
      %add3A_537 = arith.constant 8 : i32
      %add3A_538 = arith.addi %mul3A_536, %add3A_537 : i32
      %add3A_539 = vector.broadcast %add3A_538 : i32 to vector<16xi32>
      %add3A_540 = arith.addi %mul3A_11, %add3A_539 : vector<16xi32>
      %gather3A_541 = tpu.vector_load_idx %arg15[%add3A_540] : memref<64xi32, #tpu.memory_space<vmem>>[vector<16xi32>], vector<16xi32>,
      %mul3A_542 = arith.constant 145 : i32
      %mul3A_543 = vector.broadcast %mul3A_542 : i32 to vector<16xi32>
      %mul3A_544 = arith.muli %add3A_540, %mul3A_543 : vector<16xi32>
      %add3A_545 = arith.addi %mul3A_544, %add3A_199 : vector<16xi32>
      %add3A_546 = arith.addi %gather3A_541, %mul3A_229 : vector<16xi32>
      tpu.vector_store_idx %arg11[%add3A_545], %add3A_546 : memref<9280xi32, #tpu.memory_space<vmem>>[vector<16xi32>], vector<16xi32>,
      %add3A_547 = arith.addi %mul3A_544, %add3A_202 : vector<16xi32>
      %add3A_548 = arith.addi %gather3A_541, %mul3A_232 : vector<16xi32>
      tpu.vector_store_idx %arg11[%add3A_547], %add3A_548 : memref<9280xi32, #tpu.memory_space<vmem>>[vector<16xi32>], vector<16xi32>,
      %add3A_549 = arith.addi %mul3A_544, %add3A_205 : vector<16xi32>
      %add3A_550 = arith.addi %gather3A_541, %mul3A_235 : vector<16xi32>
      tpu.vector_store_idx %arg11[%add3A_549], %add3A_550 : memref<9280xi32, #tpu.memory_space<vmem>>[vector<16xi32>], vector<16xi32>,
      %add3A_551 = arith.addi %mul3A_544, %add3A_208 : vector<16xi32>
      %add3A_552 = arith.addi %gather3A_541, %mul3A_238 : vector<16xi32>
      tpu.vector_store_idx %arg11[%add3A_551], %add3A_552 : memref<9280xi32, #tpu.memory_space<vmem>>[vector<16xi32>], vector<16xi32>,
      %add3A_553 = arith.addi %mul3A_544, %add3A_211 : vector<16xi32>
      %add3A_554 = arith.addi %gather3A_541, %mul3A_241 : vector<16xi32>
      tpu.vector_store_idx %arg11[%add3A_553], %add3A_554 : memref<9280xi32, #tpu.memory_space<vmem>>[vector<16xi32>], vector<16xi32>,
      %add3A_555 = arith.addi %mul3A_544, %add3A_214 : vector<16xi32>
      %add3A_556 = arith.addi %gather3A_541, %mul3A_244 : vector<16xi32>
      tpu.vector_store_idx %arg11[%add3A_555], %add3A_556 : memref<9280xi32, #tpu.memory_space<vmem>>[vector<16xi32>], vector<16xi32>,
      %add3A_557 = arith.addi %mul3A_544, %add3A_217 : vector<16xi32>
      %add3A_558 = arith.addi %gather3A_541, %mul3A_247 : vector<16xi32>
      tpu.vector_store_idx %arg11[%add3A_557], %add3A_558 : memref<9280xi32, #tpu.memory_space<vmem>>[vector<16xi32>], vector<16xi32>,
      %add3A_559 = arith.addi %mul3A_544, %add3A_220 : vector<16xi32>
      %add3A_560 = arith.addi %gather3A_541, %mul3A_250 : vector<16xi32>
      tpu.vector_store_idx %arg11[%add3A_559], %add3A_560 : memref<9280xi32, #tpu.memory_space<vmem>>[vector<16xi32>], vector<16xi32>,
      %add3A_561 = arith.addi %mul3A_544, %add3A_223 : vector<16xi32>
      %add3A_562 = arith.addi %gather3A_541, %mul3A_253 : vector<16xi32>
      tpu.vector_store_idx %arg11[%add3A_561], %add3A_562 : memref<9280xi32, #tpu.memory_space<vmem>>[vector<16xi32>], vector<16xi32>,
      %add3A_563 = arith.addi %mul3A_544, %add3A_226 : vector<16xi32>
      %add3A_564 = arith.addi %gather3A_541, %mul3A_256 : vector<16xi32>
      tpu.vector_store_idx %arg11[%add3A_563], %add3A_564 : memref<9280xi32, #tpu.memory_space<vmem>>[vector<16xi32>], vector<16xi32>,
      %mul3A_565 = arith.constant 16 : i32
      %mul3A_566 = arith.muli %scan3A_293, %mul3A_565 : i32
      %add3A_567 = arith.constant 9 : i32
      %add3A_568 = arith.addi %mul3A_566, %add3A_567 : i32
      %add3A_569 = vector.broadcast %add3A_568 : i32 to vector<16xi32>
      %add3A_570 = arith.addi %mul3A_11, %add3A_569 : vector<16xi32>
      %gather3A_571 = tpu.vector_load_idx %arg15[%add3A_570] : memref<64xi32, #tpu.memory_space<vmem>>[vector<16xi32>], vector<16xi32>,
      %mul3A_572 = arith.constant 145 : i32
      %mul3A_573 = vector.broadcast %mul3A_572 : i32 to vector<16xi32>
      %mul3A_574 = arith.muli %add3A_570, %mul3A_573 : vector<16xi32>
      %add3A_575 = arith.addi %mul3A_574, %add3A_199 : vector<16xi32>
      %add3A_576 = arith.addi %gather3A_571, %mul3A_229 : vector<16xi32>
      tpu.vector_store_idx %arg11[%add3A_575], %add3A_576 : memref<9280xi32, #tpu.memory_space<vmem>>[vector<16xi32>], vector<16xi32>,
      %add3A_577 = arith.addi %mul3A_574, %add3A_202 : vector<16xi32>
      %add3A_578 = arith.addi %gather3A_571, %mul3A_232 : vector<16xi32>
      tpu.vector_store_idx %arg11[%add3A_577], %add3A_578 : memref<9280xi32, #tpu.memory_space<vmem>>[vector<16xi32>], vector<16xi32>,
      %add3A_579 = arith.addi %mul3A_574, %add3A_205 : vector<16xi32>
      %add3A_580 = arith.addi %gather3A_571, %mul3A_235 : vector<16xi32>
      tpu.vector_store_idx %arg11[%add3A_579], %add3A_580 : memref<9280xi32, #tpu.memory_space<vmem>>[vector<16xi32>], vector<16xi32>,
      %add3A_581 = arith.addi %mul3A_574, %add3A_208 : vector<16xi32>
      %add3A_582 = arith.addi %gather3A_571, %mul3A_238 : vector<16xi32>
      tpu.vector_store_idx %arg11[%add3A_581], %add3A_582 : memref<9280xi32, #tpu.memory_space<vmem>>[vector<16xi32>], vector<16xi32>,
      %add3A_583 = arith.addi %mul3A_574, %add3A_211 : vector<16xi32>
      %add3A_584 = arith.addi %gather3A_571, %mul3A_241 : vector<16xi32>
      tpu.vector_store_idx %arg11[%add3A_583], %add3A_584 : memref<9280xi32, #tpu.memory_space<vmem>>[vector<16xi32>], vector<16xi32>,
      %add3A_585 = arith.addi %mul3A_574, %add3A_214 : vector<16xi32>
      %add3A_586 = arith.addi %gather3A_571, %mul3A_244 : vector<16xi32>
      tpu.vector_store_idx %arg11[%add3A_585], %add3A_586 : memref<9280xi32, #tpu.memory_space<vmem>>[vector<16xi32>], vector<16xi32>,
      %add3A_587 = arith.addi %mul3A_574, %add3A_217 : vector<16xi32>
      %add3A_588 = arith.addi %gather3A_571, %mul3A_247 : vector<16xi32>
      tpu.vector_store_idx %arg11[%add3A_587], %add3A_588 : memref<9280xi32, #tpu.memory_space<vmem>>[vector<16xi32>], vector<16xi32>,
      %add3A_589 = arith.addi %mul3A_574, %add3A_220 : vector<16xi32>
      %add3A_590 = arith.addi %gather3A_571, %mul3A_250 : vector<16xi32>
      tpu.vector_store_idx %arg11[%add3A_589], %add3A_590 : memref<9280xi32, #tpu.memory_space<vmem>>[vector<16xi32>], vector<16xi32>,
      %add3A_591 = arith.addi %mul3A_574, %add3A_223 : vector<16xi32>
      %add3A_592 = arith.addi %gather3A_571, %mul3A_253 : vector<16xi32>
      tpu.vector_store_idx %arg11[%add3A_591], %add3A_592 : memref<9280xi32, #tpu.memory_space<vmem>>[vector<16xi32>], vector<16xi32>,
      %add3A_593 = arith.addi %mul3A_574, %add3A_226 : vector<16xi32>
      %add3A_594 = arith.addi %gather3A_571, %mul3A_256 : vector<16xi32>
      tpu.vector_store_idx %arg11[%add3A_593], %add3A_594 : memref<9280xi32, #tpu.memory_space<vmem>>[vector<16xi32>], vector<16xi32>,
      %mul3A_595 = arith.constant 16 : i32
      %mul3A_596 = arith.muli %scan3A_293, %mul3A_595 : i32
      %add3A_597 = arith.constant 10 : i32
      %add3A_598 = arith.addi %mul3A_596, %add3A_597 : i32
      %add3A_599 = vector.broadcast %add3A_598 : i32 to vector<16xi32>
      %add3A_600 = arith.addi %mul3A_11, %add3A_599 : vector<16xi32>
      %gather3A_601 = tpu.vector_load_idx %arg15[%add3A_600] : memref<64xi32, #tpu.memory_space<vmem>>[vector<16xi32>], vector<16xi32>,
      %mul3A_602 = arith.constant 145 : i32
      %mul3A_603 = vector.broadcast %mul3A_602 : i32 to vector<16xi32>
      %mul3A_604 = arith.muli %add3A_600, %mul3A_603 : vector<16xi32>
      %add3A_605 = arith.addi %mul3A_604, %add3A_199 : vector<16xi32>
      %add3A_606 = arith.addi %gather3A_601, %mul3A_229 : vector<16xi32>
      tpu.vector_store_idx %arg11[%add3A_605], %add3A_606 : memref<9280xi32, #tpu.memory_space<vmem>>[vector<16xi32>], vector<16xi32>,
      %add3A_607 = arith.addi %mul3A_604, %add3A_202 : vector<16xi32>
      %add3A_608 = arith.addi %gather3A_601, %mul3A_232 : vector<16xi32>
      tpu.vector_store_idx %arg11[%add3A_607], %add3A_608 : memref<9280xi32, #tpu.memory_space<vmem>>[vector<16xi32>], vector<16xi32>,
      %add3A_609 = arith.addi %mul3A_604, %add3A_205 : vector<16xi32>
      %add3A_610 = arith.addi %gather3A_601, %mul3A_235 : vector<16xi32>
      tpu.vector_store_idx %arg11[%add3A_609], %add3A_610 : memref<9280xi32, #tpu.memory_space<vmem>>[vector<16xi32>], vector<16xi32>,
      %add3A_611 = arith.addi %mul3A_604, %add3A_208 : vector<16xi32>
      %add3A_612 = arith.addi %gather3A_601, %mul3A_238 : vector<16xi32>
      tpu.vector_store_idx %arg11[%add3A_611], %add3A_612 : memref<9280xi32, #tpu.memory_space<vmem>>[vector<16xi32>], vector<16xi32>,
      %add3A_613 = arith.addi %mul3A_604, %add3A_211 : vector<16xi32>
      %add3A_614 = arith.addi %gather3A_601, %mul3A_241 : vector<16xi32>
      tpu.vector_store_idx %arg11[%add3A_613], %add3A_614 : memref<9280xi32, #tpu.memory_space<vmem>>[vector<16xi32>], vector<16xi32>,
      %add3A_615 = arith.addi %mul3A_604, %add3A_214 : vector<16xi32>
      %add3A_616 = arith.addi %gather3A_601, %mul3A_244 : vector<16xi32>
      tpu.vector_store_idx %arg11[%add3A_615], %add3A_616 : memref<9280xi32, #tpu.memory_space<vmem>>[vector<16xi32>], vector<16xi32>,
      %add3A_617 = arith.addi %mul3A_604, %add3A_217 : vector<16xi32>
      %add3A_618 = arith.addi %gather3A_601, %mul3A_247 : vector<16xi32>
      tpu.vector_store_idx %arg11[%add3A_617], %add3A_618 : memref<9280xi32, #tpu.memory_space<vmem>>[vector<16xi32>], vector<16xi32>,
      %add3A_619 = arith.addi %mul3A_604, %add3A_220 : vector<16xi32>
      %add3A_620 = arith.addi %gather3A_601, %mul3A_250 : vector<16xi32>
      tpu.vector_store_idx %arg11[%add3A_619], %add3A_620 : memref<9280xi32, #tpu.memory_space<vmem>>[vector<16xi32>], vector<16xi32>,
      %add3A_621 = arith.addi %mul3A_604, %add3A_223 : vector<16xi32>
      %add3A_622 = arith.addi %gather3A_601, %mul3A_253 : vector<16xi32>
      tpu.vector_store_idx %arg11[%add3A_621], %add3A_622 : memref<9280xi32, #tpu.memory_space<vmem>>[vector<16xi32>], vector<16xi32>,
      %add3A_623 = arith.addi %mul3A_604, %add3A_226 : vector<16xi32>
      %add3A_624 = arith.addi %gather3A_601, %mul3A_256 : vector<16xi32>
      tpu.vector_store_idx %arg11[%add3A_623], %add3A_624 : memref<9280xi32, #tpu.memory_space<vmem>>[vector<16xi32>], vector<16xi32>,
      %mul3A_625 = arith.constant 16 : i32
      %mul3A_626 = arith.muli %scan3A_293, %mul3A_625 : i32
      %add3A_627 = arith.constant 11 : i32
      %add3A_628 = arith.addi %mul3A_626, %add3A_627 : i32
      %add3A_629 = vector.broadcast %add3A_628 : i32 to vector<16xi32>
      %add3A_630 = arith.addi %mul3A_11, %add3A_629 : vector<16xi32>
      %gather3A_631 = tpu.vector_load_idx %arg15[%add3A_630] : memref<64xi32, #tpu.memory_space<vmem>>[vector<16xi32>], vector<16xi32>,
      %mul3A_632 = arith.constant 145 : i32
      %mul3A_633 = vector.broadcast %mul3A_632 : i32 to vector<16xi32>
      %mul3A_634 = arith.muli %add3A_630, %mul3A_633 : vector<16xi32>
      %add3A_635 = arith.addi %mul3A_634, %add3A_199 : vector<16xi32>
      %add3A_636 = arith.addi %gather3A_631, %mul3A_229 : vector<16xi32>
      tpu.vector_store_idx %arg11[%add3A_635], %add3A_636 : memref<9280xi32, #tpu.memory_space<vmem>>[vector<16xi32>], vector<16xi32>,
      %add3A_637 = arith.addi %mul3A_634, %add3A_202 : vector<16xi32>
      %add3A_638 = arith.addi %gather3A_631, %mul3A_232 : vector<16xi32>
      tpu.vector_store_idx %arg11[%add3A_637], %add3A_638 : memref<9280xi32, #tpu.memory_space<vmem>>[vector<16xi32>], vector<16xi32>,
      %add3A_639 = arith.addi %mul3A_634, %add3A_205 : vector<16xi32>
      %add3A_640 = arith.addi %gather3A_631, %mul3A_235 : vector<16xi32>
      tpu.vector_store_idx %arg11[%add3A_639], %add3A_640 : memref<9280xi32, #tpu.memory_space<vmem>>[vector<16xi32>], vector<16xi32>,
      %add3A_641 = arith.addi %mul3A_634, %add3A_208 : vector<16xi32>
      %add3A_642 = arith.addi %gather3A_631, %mul3A_238 : vector<16xi32>
      tpu.vector_store_idx %arg11[%add3A_641], %add3A_642 : memref<9280xi32, #tpu.memory_space<vmem>>[vector<16xi32>], vector<16xi32>,
      %add3A_643 = arith.addi %mul3A_634, %add3A_211 : vector<16xi32>
      %add3A_644 = arith.addi %gather3A_631, %mul3A_241 : vector<16xi32>
      tpu.vector_store_idx %arg11[%add3A_643], %add3A_644 : memref<9280xi32, #tpu.memory_space<vmem>>[vector<16xi32>], vector<16xi32>,
      %add3A_645 = arith.addi %mul3A_634, %add3A_214 : vector<16xi32>
      %add3A_646 = arith.addi %gather3A_631, %mul3A_244 : vector<16xi32>
      tpu.vector_store_idx %arg11[%add3A_645], %add3A_646 : memref<9280xi32, #tpu.memory_space<vmem>>[vector<16xi32>], vector<16xi32>,
      %add3A_647 = arith.addi %mul3A_634, %add3A_217 : vector<16xi32>
      %add3A_648 = arith.addi %gather3A_631, %mul3A_247 : vector<16xi32>
      tpu.vector_store_idx %arg11[%add3A_647], %add3A_648 : memref<9280xi32, #tpu.memory_space<vmem>>[vector<16xi32>], vector<16xi32>,
      %add3A_649 = arith.addi %mul3A_634, %add3A_220 : vector<16xi32>
      %add3A_650 = arith.addi %gather3A_631, %mul3A_250 : vector<16xi32>
      tpu.vector_store_idx %arg11[%add3A_649], %add3A_650 : memref<9280xi32, #tpu.memory_space<vmem>>[vector<16xi32>], vector<16xi32>,
      %add3A_651 = arith.addi %mul3A_634, %add3A_223 : vector<16xi32>
      %add3A_652 = arith.addi %gather3A_631, %mul3A_253 : vector<16xi32>
      tpu.vector_store_idx %arg11[%add3A_651], %add3A_652 : memref<9280xi32, #tpu.memory_space<vmem>>[vector<16xi32>], vector<16xi32>,
      %add3A_653 = arith.addi %mul3A_634, %add3A_226 : vector<16xi32>
      %add3A_654 = arith.addi %gather3A_631, %mul3A_256 : vector<16xi32>
      tpu.vector_store_idx %arg11[%add3A_653], %add3A_654 : memref<9280xi32, #tpu.memory_space<vmem>>[vector<16xi32>], vector<16xi32>,
      %mul3A_655 = arith.constant 16 : i32
      %mul3A_656 = arith.muli %scan3A_293, %mul3A_655 : i32
      %add3A_657 = arith.constant 12 : i32
      %add3A_658 = arith.addi %mul3A_656, %add3A_657 : i32
      %add3A_659 = vector.broadcast %add3A_658 : i32 to vector<16xi32>
      %add3A_660 = arith.addi %mul3A_11, %add3A_659 : vector<16xi32>
      %gather3A_661 = tpu.vector_load_idx %arg15[%add3A_660] : memref<64xi32, #tpu.memory_space<vmem>>[vector<16xi32>], vector<16xi32>,
      %mul3A_662 = arith.constant 145 : i32
      %mul3A_663 = vector.broadcast %mul3A_662 : i32 to vector<16xi32>
      %mul3A_664 = arith.muli %add3A_660, %mul3A_663 : vector<16xi32>
      %add3A_665 = arith.addi %mul3A_664, %add3A_199 : vector<16xi32>
      %add3A_666 = arith.addi %gather3A_661, %mul3A_229 : vector<16xi32>
      tpu.vector_store_idx %arg11[%add3A_665], %add3A_666 : memref<9280xi32, #tpu.memory_space<vmem>>[vector<16xi32>], vector<16xi32>,
      %add3A_667 = arith.addi %mul3A_664, %add3A_202 : vector<16xi32>
      %add3A_668 = arith.addi %gather3A_661, %mul3A_232 : vector<16xi32>
      tpu.vector_store_idx %arg11[%add3A_667], %add3A_668 : memref<9280xi32, #tpu.memory_space<vmem>>[vector<16xi32>], vector<16xi32>,
      %add3A_669 = arith.addi %mul3A_664, %add3A_205 : vector<16xi32>
      %add3A_670 = arith.addi %gather3A_661, %mul3A_235 : vector<16xi32>
      tpu.vector_store_idx %arg11[%add3A_669], %add3A_670 : memref<9280xi32, #tpu.memory_space<vmem>>[vector<16xi32>], vector<16xi32>,
      %add3A_671 = arith.addi %mul3A_664, %add3A_208 : vector<16xi32>
      %add3A_672 = arith.addi %gather3A_661, %mul3A_238 : vector<16xi32>
      tpu.vector_store_idx %arg11[%add3A_671], %add3A_672 : memref<9280xi32, #tpu.memory_space<vmem>>[vector<16xi32>], vector<16xi32>,
      %add3A_673 = arith.addi %mul3A_664, %add3A_211 : vector<16xi32>
      %add3A_674 = arith.addi %gather3A_661, %mul3A_241 : vector<16xi32>
      tpu.vector_store_idx %arg11[%add3A_673], %add3A_674 : memref<9280xi32, #tpu.memory_space<vmem>>[vector<16xi32>], vector<16xi32>,
      %add3A_675 = arith.addi %mul3A_664, %add3A_214 : vector<16xi32>
      %add3A_676 = arith.addi %gather3A_661, %mul3A_244 : vector<16xi32>
      tpu.vector_store_idx %arg11[%add3A_675], %add3A_676 : memref<9280xi32, #tpu.memory_space<vmem>>[vector<16xi32>], vector<16xi32>,
      %add3A_677 = arith.addi %mul3A_664, %add3A_217 : vector<16xi32>
      %add3A_678 = arith.addi %gather3A_661, %mul3A_247 : vector<16xi32>
      tpu.vector_store_idx %arg11[%add3A_677], %add3A_678 : memref<9280xi32, #tpu.memory_space<vmem>>[vector<16xi32>], vector<16xi32>,
      %add3A_679 = arith.addi %mul3A_664, %add3A_220 : vector<16xi32>
      %add3A_680 = arith.addi %gather3A_661, %mul3A_250 : vector<16xi32>
      tpu.vector_store_idx %arg11[%add3A_679], %add3A_680 : memref<9280xi32, #tpu.memory_space<vmem>>[vector<16xi32>], vector<16xi32>,
      %add3A_681 = arith.addi %mul3A_664, %add3A_223 : vector<16xi32>
      %add3A_682 = arith.addi %gather3A_661, %mul3A_253 : vector<16xi32>
      tpu.vector_store_idx %arg11[%add3A_681], %add3A_682 : memref<9280xi32, #tpu.memory_space<vmem>>[vector<16xi32>], vector<16xi32>,
      %add3A_683 = arith.addi %mul3A_664, %add3A_226 : vector<16xi32>
      %add3A_684 = arith.addi %gather3A_661, %mul3A_256 : vector<16xi32>
      tpu.vector_store_idx %arg11[%add3A_683], %add3A_684 : memref<9280xi32, #tpu.memory_space<vmem>>[vector<16xi32>], vector<16xi32>,
      %mul3A_685 = arith.constant 16 : i32
      %mul3A_686 = arith.muli %scan3A_293, %mul3A_685 : i32
      %add3A_687 = arith.constant 13 : i32
      %add3A_688 = arith.addi %mul3A_686, %add3A_687 : i32
      %add3A_689 = vector.broadcast %add3A_688 : i32 to vector<16xi32>
      %add3A_690 = arith.addi %mul3A_11, %add3A_689 : vector<16xi32>
      %gather3A_691 = tpu.vector_load_idx %arg15[%add3A_690] : memref<64xi32, #tpu.memory_space<vmem>>[vector<16xi32>], vector<16xi32>,
      %mul3A_692 = arith.constant 145 : i32
      %mul3A_693 = vector.broadcast %mul3A_692 : i32 to vector<16xi32>
      %mul3A_694 = arith.muli %add3A_690, %mul3A_693 : vector<16xi32>
      %add3A_695 = arith.addi %mul3A_694, %add3A_199 : vector<16xi32>
      %add3A_696 = arith.addi %gather3A_691, %mul3A_229 : vector<16xi32>
      tpu.vector_store_idx %arg11[%add3A_695], %add3A_696 : memref<9280xi32, #tpu.memory_space<vmem>>[vector<16xi32>], vector<16xi32>,
      %add3A_697 = arith.addi %mul3A_694, %add3A_202 : vector<16xi32>
      %add3A_698 = arith.addi %gather3A_691, %mul3A_232 : vector<16xi32>
      tpu.vector_store_idx %arg11[%add3A_697], %add3A_698 : memref<9280xi32, #tpu.memory_space<vmem>>[vector<16xi32>], vector<16xi32>,
      %add3A_699 = arith.addi %mul3A_694, %add3A_205 : vector<16xi32>
      %add3A_700 = arith.addi %gather3A_691, %mul3A_235 : vector<16xi32>
      tpu.vector_store_idx %arg11[%add3A_699], %add3A_700 : memref<9280xi32, #tpu.memory_space<vmem>>[vector<16xi32>], vector<16xi32>,
      %add3A_701 = arith.addi %mul3A_694, %add3A_208 : vector<16xi32>
      %add3A_702 = arith.addi %gather3A_691, %mul3A_238 : vector<16xi32>
      tpu.vector_store_idx %arg11[%add3A_701], %add3A_702 : memref<9280xi32, #tpu.memory_space<vmem>>[vector<16xi32>], vector<16xi32>,
      %add3A_703 = arith.addi %mul3A_694, %add3A_211 : vector<16xi32>
      %add3A_704 = arith.addi %gather3A_691, %mul3A_241 : vector<16xi32>
      tpu.vector_store_idx %arg11[%add3A_703], %add3A_704 : memref<9280xi32, #tpu.memory_space<vmem>>[vector<16xi32>], vector<16xi32>,
      %add3A_705 = arith.addi %mul3A_694, %add3A_214 : vector<16xi32>
      %add3A_706 = arith.addi %gather3A_691, %mul3A_244 : vector<16xi32>
      tpu.vector_store_idx %arg11[%add3A_705], %add3A_706 : memref<9280xi32, #tpu.memory_space<vmem>>[vector<16xi32>], vector<16xi32>,
      %add3A_707 = arith.addi %mul3A_694, %add3A_217 : vector<16xi32>
      %add3A_708 = arith.addi %gather3A_691, %mul3A_247 : vector<16xi32>
      tpu.vector_store_idx %arg11[%add3A_707], %add3A_708 : memref<9280xi32, #tpu.memory_space<vmem>>[vector<16xi32>], vector<16xi32>,
      %add3A_709 = arith.addi %mul3A_694, %add3A_220 : vector<16xi32>
      %add3A_710 = arith.addi %gather3A_691, %mul3A_250 : vector<16xi32>
      tpu.vector_store_idx %arg11[%add3A_709], %add3A_710 : memref<9280xi32, #tpu.memory_space<vmem>>[vector<16xi32>], vector<16xi32>,
      %add3A_711 = arith.addi %mul3A_694, %add3A_223 : vector<16xi32>
      %add3A_712 = arith.addi %gather3A_691, %mul3A_253 : vector<16xi32>
      tpu.vector_store_idx %arg11[%add3A_711], %add3A_712 : memref<9280xi32, #tpu.memory_space<vmem>>[vector<16xi32>], vector<16xi32>,
      %add3A_713 = arith.addi %mul3A_694, %add3A_226 : vector<16xi32>
      %add3A_714 = arith.addi %gather3A_691, %mul3A_256 : vector<16xi32>
      tpu.vector_store_idx %arg11[%add3A_713], %add3A_714 : memref<9280xi32, #tpu.memory_space<vmem>>[vector<16xi32>], vector<16xi32>,
      %mul3A_715 = arith.constant 16 : i32
      %mul3A_716 = arith.muli %scan3A_293, %mul3A_715 : i32
      %add3A_717 = arith.constant 14 : i32
      %add3A_718 = arith.addi %mul3A_716, %add3A_717 : i32
      %add3A_719 = vector.broadcast %add3A_718 : i32 to vector<16xi32>
      %add3A_720 = arith.addi %mul3A_11, %add3A_719 : vector<16xi32>
      %gather3A_721 = tpu.vector_load_idx %arg15[%add3A_720] : memref<64xi32, #tpu.memory_space<vmem>>[vector<16xi32>], vector<16xi32>,
      %mul3A_722 = arith.constant 145 : i32
      %mul3A_723 = vector.broadcast %mul3A_722 : i32 to vector<16xi32>
      %mul3A_724 = arith.muli %add3A_720, %mul3A_723 : vector<16xi32>
      %add3A_725 = arith.addi %mul3A_724, %add3A_199 : vector<16xi32>
      %add3A_726 = arith.addi %gather3A_721, %mul3A_229 : vector<16xi32>
      tpu.vector_store_idx %arg11[%add3A_725], %add3A_726 : memref<9280xi32, #tpu.memory_space<vmem>>[vector<16xi32>], vector<16xi32>,
      %add3A_727 = arith.addi %mul3A_724, %add3A_202 : vector<16xi32>
      %add3A_728 = arith.addi %gather3A_721, %mul3A_232 : vector<16xi32>
      tpu.vector_store_idx %arg11[%add3A_727], %add3A_728 : memref<9280xi32, #tpu.memory_space<vmem>>[vector<16xi32>], vector<16xi32>,
      %add3A_729 = arith.addi %mul3A_724, %add3A_205 : vector<16xi32>
      %add3A_730 = arith.addi %gather3A_721, %mul3A_235 : vector<16xi32>
      tpu.vector_store_idx %arg11[%add3A_729], %add3A_730 : memref<9280xi32, #tpu.memory_space<vmem>>[vector<16xi32>], vector<16xi32>,
      %add3A_731 = arith.addi %mul3A_724, %add3A_208 : vector<16xi32>
      %add3A_732 = arith.addi %gather3A_721, %mul3A_238 : vector<16xi32>
      tpu.vector_store_idx %arg11[%add3A_731], %add3A_732 : memref<9280xi32, #tpu.memory_space<vmem>>[vector<16xi32>], vector<16xi32>,
      %add3A_733 = arith.addi %mul3A_724, %add3A_211 : vector<16xi32>
      %add3A_734 = arith.addi %gather3A_721, %mul3A_241 : vector<16xi32>
      tpu.vector_store_idx %arg11[%add3A_733], %add3A_734 : memref<9280xi32, #tpu.memory_space<vmem>>[vector<16xi32>], vector<16xi32>,
      %add3A_735 = arith.addi %mul3A_724, %add3A_214 : vector<16xi32>
      %add3A_736 = arith.addi %gather3A_721, %mul3A_244 : vector<16xi32>
      tpu.vector_store_idx %arg11[%add3A_735], %add3A_736 : memref<9280xi32, #tpu.memory_space<vmem>>[vector<16xi32>], vector<16xi32>,
      %add3A_737 = arith.addi %mul3A_724, %add3A_217 : vector<16xi32>
      %add3A_738 = arith.addi %gather3A_721, %mul3A_247 : vector<16xi32>
      tpu.vector_store_idx %arg11[%add3A_737], %add3A_738 : memref<9280xi32, #tpu.memory_space<vmem>>[vector<16xi32>], vector<16xi32>,
      %add3A_739 = arith.addi %mul3A_724, %add3A_220 : vector<16xi32>
      %add3A_740 = arith.addi %gather3A_721, %mul3A_250 : vector<16xi32>
      tpu.vector_store_idx %arg11[%add3A_739], %add3A_740 : memref<9280xi32, #tpu.memory_space<vmem>>[vector<16xi32>], vector<16xi32>,
      %add3A_741 = arith.addi %mul3A_724, %add3A_223 : vector<16xi32>
      %add3A_742 = arith.addi %gather3A_721, %mul3A_253 : vector<16xi32>
      tpu.vector_store_idx %arg11[%add3A_741], %add3A_742 : memref<9280xi32, #tpu.memory_space<vmem>>[vector<16xi32>], vector<16xi32>,
      %add3A_743 = arith.addi %mul3A_724, %add3A_226 : vector<16xi32>
      %add3A_744 = arith.addi %gather3A_721, %mul3A_256 : vector<16xi32>
      tpu.vector_store_idx %arg11[%add3A_743], %add3A_744 : memref<9280xi32, #tpu.memory_space<vmem>>[vector<16xi32>], vector<16xi32>,
      %mul3A_745 = arith.constant 16 : i32
      %mul3A_746 = arith.muli %scan3A_293, %mul3A_745 : i32
      %add3A_747 = arith.constant 15 : i32
      %add3A_748 = arith.addi %mul3A_746, %add3A_747 : i32
      %add3A_749 = vector.broadcast %add3A_748 : i32 to vector<16xi32>
      %add3A_750 = arith.addi %mul3A_11, %add3A_749 : vector<16xi32>
      %gather3A_751 = tpu.vector_load_idx %arg15[%add3A_750] : memref<64xi32, #tpu.memory_space<vmem>>[vector<16xi32>], vector<16xi32>,
      %mul3A_752 = arith.constant 145 : i32
      %mul3A_753 = vector.broadcast %mul3A_752 : i32 to vector<16xi32>
      %mul3A_754 = arith.muli %add3A_750, %mul3A_753 : vector<16xi32>
      %add3A_755 = arith.addi %mul3A_754, %add3A_199 : vector<16xi32>
      %add3A_756 = arith.addi %gather3A_751, %mul3A_229 : vector<16xi32>
      tpu.vector_store_idx %arg11[%add3A_755], %add3A_756 : memref<9280xi32, #tpu.memory_space<vmem>>[vector<16xi32>], vector<16xi32>,
      %add3A_757 = arith.addi %mul3A_754, %add3A_202 : vector<16xi32>
      %add3A_758 = arith.addi %gather3A_751, %mul3A_232 : vector<16xi32>
      tpu.vector_store_idx %arg11[%add3A_757], %add3A_758 : memref<9280xi32, #tpu.memory_space<vmem>>[vector<16xi32>], vector<16xi32>,
      %add3A_759 = arith.addi %mul3A_754, %add3A_205 : vector<16xi32>
      %add3A_760 = arith.addi %gather3A_751, %mul3A_235 : vector<16xi32>
      tpu.vector_store_idx %arg11[%add3A_759], %add3A_760 : memref<9280xi32, #tpu.memory_space<vmem>>[vector<16xi32>], vector<16xi32>,
      %add3A_761 = arith.addi %mul3A_754, %add3A_208 : vector<16xi32>
      %add3A_762 = arith.addi %gather3A_751, %mul3A_238 : vector<16xi32>
      tpu.vector_store_idx %arg11[%add3A_761], %add3A_762 : memref<9280xi32, #tpu.memory_space<vmem>>[vector<16xi32>], vector<16xi32>,
      %add3A_763 = arith.addi %mul3A_754, %add3A_211 : vector<16xi32>
      %add3A_764 = arith.addi %gather3A_751, %mul3A_241 : vector<16xi32>
      tpu.vector_store_idx %arg11[%add3A_763], %add3A_764 : memref<9280xi32, #tpu.memory_space<vmem>>[vector<16xi32>], vector<16xi32>,
      %add3A_765 = arith.addi %mul3A_754, %add3A_214 : vector<16xi32>
      %add3A_766 = arith.addi %gather3A_751, %mul3A_244 : vector<16xi32>
      tpu.vector_store_idx %arg11[%add3A_765], %add3A_766 : memref<9280xi32, #tpu.memory_space<vmem>>[vector<16xi32>], vector<16xi32>,
      %add3A_767 = arith.addi %mul3A_754, %add3A_217 : vector<16xi32>
      %add3A_768 = arith.addi %gather3A_751, %mul3A_247 : vector<16xi32>
      tpu.vector_store_idx %arg11[%add3A_767], %add3A_768 : memref<9280xi32, #tpu.memory_space<vmem>>[vector<16xi32>], vector<16xi32>,
      %add3A_769 = arith.addi %mul3A_754, %add3A_220 : vector<16xi32>
      %add3A_770 = arith.addi %gather3A_751, %mul3A_250 : vector<16xi32>
      tpu.vector_store_idx %arg11[%add3A_769], %add3A_770 : memref<9280xi32, #tpu.memory_space<vmem>>[vector<16xi32>], vector<16xi32>,
      %add3A_771 = arith.addi %mul3A_754, %add3A_223 : vector<16xi32>
      %add3A_772 = arith.addi %gather3A_751, %mul3A_253 : vector<16xi32>
      tpu.vector_store_idx %arg11[%add3A_771], %add3A_772 : memref<9280xi32, #tpu.memory_space<vmem>>[vector<16xi32>], vector<16xi32>,
      %add3A_773 = arith.addi %mul3A_754, %add3A_226 : vector<16xi32>
      %add3A_774 = arith.addi %gather3A_751, %mul3A_256 : vector<16xi32>
      tpu.vector_store_idx %arg11[%add3A_773], %add3A_774 : memref<9280xi32, #tpu.memory_space<vmem>>[vector<16xi32>], vector<16xi32>,
      %mul3A_775 = arith.constant 16 : i32
      %mul3A_776 = arith.muli %scan3A_293, %mul3A_775 : i32
      %mul3A_777 = arith.constant 145 : i32
      %mul3A_778 = arith.muli %mul3A_776, %mul3A_777 : i32
      %multiple_of3A = tpu.assume_multiple %mul3A_778, 8 : i32
      %mul3A_779 = arith.constant 16 : i32
      %mul3A_780 = arith.muli %scan3A_293, %mul3A_779 : i32
      %mul3A_781 = arith.constant 145 : i32
      %mul3A_782 = arith.muli %mul3A_780, %mul3A_781 : i32
      %multiple_of3A_783 = tpu.assume_multiple %mul3A_782, 8 : i32
      %dma_start3A_784 = tpu.memref_slice %arg12[%multiple_of3A_783] : memref<9280xf32, #tpu.memory_space<vmem>> -> memref<2320xf32, #tpu.memory_space<vmem>>
      %dma_start3A_785 = tpu.memref_slice %arg11[%multiple_of3A] : memref<9280xi32, #tpu.memory_space<vmem>> -> memref<2320xi32, #tpu.memory_space<vmem>>
      %dma_start3A_786 = arith.constant 0 : i32
      %dma_start3A_787 = tpu.memref_slice %arg2[%dma_start3A_786] : memref<38010880xf32, #tpu.memory_space<hbm>> -> memref<38010880xf32, #tpu.memory_space<hbm>>
      tpu.enqueue_indirect_dma source(%dma_start3A_787 : memref<38010880xf32, #tpu.memory_space<hbm>>) target(%dma_start3A_784 : memref<2320xf32, #tpu.memory_space<vmem>>) offsets(%dma_start3A_785 : memref<2320xi32, #tpu.memory_space<vmem>>) semaphore(%arg21 : memref<!tpu.dma_semaphore, #tpu.memory_space<semaphore_mem>>)
      %scan3A_788 = arith.constant 0 : i32
      scf.yield %scan3A_788 : i32
    }
    %scan3A_262 = arith.constant 4 : i32
    %mul3A_263 = arith.constant 2 : i32
    %mul3A_264 = arith.muli %mul3A_2, %mul3A_263 : i32
    %dma_start3A_265 = tpu.memref_slice %arg9[%mul3A_264] : memref<4096xf32, #tpu.memory_space<hbm>> -> memref<128xf32, #tpu.memory_space<hbm>>
    %dma_start3A_266 = tpu.memref_slice %arg9[%mul3A_264] : memref<4096xf32, #tpu.memory_space<hbm>> -> memref<128xf32, #tpu.memory_space<hbm>>
    tpu.enqueue_dma source(%arg20 : memref<128xf32, #tpu.memory_space<vmem>>) target(%dma_start3A_266 : memref<128xf32, #tpu.memory_space<hbm>>) target_semaphore(%arg22 : memref<!tpu.dma_semaphore, #tpu.memory_space<semaphore_mem>>)
    %dma_start3A_267 = tpu.memref_slice %arg10[%mul3A_2] : memref<2048xi32, #tpu.memory_space<hbm>> -> memref<64xi32, #tpu.memory_space<hbm>>
    %dma_start3A_268 = tpu.memref_slice %arg10[%mul3A_2] : memref<2048xi32, #tpu.memory_space<hbm>> -> memref<64xi32, #tpu.memory_space<hbm>>
    tpu.enqueue_dma source(%arg19 : memref<64xi32, #tpu.memory_space<vmem>>) target(%dma_start3A_268 : memref<64xi32, #tpu.memory_space<hbm>>) target_semaphore(%arg22 : memref<!tpu.dma_semaphore, #tpu.memory_space<semaphore_mem>>)
    %dma_wait3A_269 = arith.constant 0 : i32
    %dma_wait3A_270 = tpu.memref_slice %arg3[%dma_wait3A_269] : memref<262144xf32, #tpu.memory_space<hbm>> -> memref<262144xf32, #tpu.memory_space<hbm>>
    tpu.wait_indirect_dma semaphore(%arg23 : memref<!tpu.dma_semaphore, #tpu.memory_space<semaphore_mem>>) src(%dma_wait3A_270 : memref<262144xf32, #tpu.memory_space<hbm>>) dst(%arg17 : memref<64xf32, #tpu.memory_space<vmem>>)
    %dma_start3A_271 = tpu.memref_slice %arg8[%mul3A_2] : memref<2048xf32, #tpu.memory_space<hbm>> -> memref<64xf32, #tpu.memory_space<hbm>>
    %dma_start3A_272 = tpu.memref_slice %arg8[%mul3A_2] : memref<2048xf32, #tpu.memory_space<hbm>> -> memref<64xf32, #tpu.memory_space<hbm>>
    tpu.enqueue_dma source(%arg17 : memref<64xf32, #tpu.memory_space<vmem>>) target(%dma_start3A_272 : memref<64xf32, #tpu.memory_space<hbm>>) target_semaphore(%arg22 : memref<!tpu.dma_semaphore, #tpu.memory_space<semaphore_mem>>)
    %scan3A_273 = arith.constant 0 : i32
    %scan3A_274 = arith.constant 0 : i32
    %scan3A_275 = arith.constant 4 : i32
    %scan3A_276 = arith.addi %scan3A_274, %scan3A_275 : i32
    %scan3A_277 = arith.constant 1 : i32
    %scan3A_278 = scf.for %scan3A_293 = %scan3A_274 to %scan3A_276 step %scan3A_277 iter_args(%scan3A_294 = %scan3A_273) -> (i32)  : i32 {
      %mul3A_295 = arith.constant 16 : i32
      %mul3A_296 = arith.muli %scan3A_293, %mul3A_295 : i32
      %mul3A_297 = arith.constant 145 : i32
      %mul3A_298 = arith.muli %mul3A_296, %mul3A_297 : i32
      %multiple_of3A = tpu.assume_multiple %mul3A_298, 8 : i32
      %dma_wait3A_299 = tpu.memref_slice %arg12[%multiple_of3A] : memref<9280xf32, #tpu.memory_space<vmem>> -> memref<2320xf32, #tpu.memory_space<vmem>>
      %dma_wait3A_300 = tpu.memref_slice %arg11[%multiple_of3A] : memref<9280xi32, #tpu.memory_space<vmem>> -> memref<2320xi32, #tpu.memory_space<vmem>>
      %dma_wait3A_301 = arith.constant 0 : i32
      %dma_wait3A_302 = tpu.memref_slice %arg2[%dma_wait3A_301] : memref<38010880xf32, #tpu.memory_space<hbm>> -> memref<38010880xf32, #tpu.memory_space<hbm>>
      tpu.wait_indirect_dma semaphore(%arg21 : memref<!tpu.dma_semaphore, #tpu.memory_space<semaphore_mem>>) src(%dma_wait3A_302 : memref<38010880xf32, #tpu.memory_space<hbm>>) dst(%dma_wait3A_299 : memref<2320xf32, #tpu.memory_space<vmem>>)
      %mul3A_303 = arith.constant 145 : i32
      %mul3A_304 = arith.muli %mul3A_2, %mul3A_303 : i32
      %add3A_305 = arith.addi %mul3A_304, %multiple_of3A : i32
      %dma_start3A_306 = tpu.memref_slice %arg12[%multiple_of3A] : memref<9280xf32, #tpu.memory_space<vmem>> -> memref<2320xf32, #tpu.memory_space<vmem>>
      %dma_start3A_307 = tpu.memref_slice %arg7[%add3A_305] : memref<296960xf32, #tpu.memory_space<hbm>> -> memref<2320xf32, #tpu.memory_space<hbm>>
      %dma_start3A_308 = tpu.memref_slice %arg7[%add3A_305] : memref<296960xf32, #tpu.memory_space<hbm>> -> memref<2320xf32, #tpu.memory_space<hbm>>
      %dma_start3A_309 = tpu.memref_slice %arg12[%multiple_of3A] : memref<9280xf32, #tpu.memory_space<vmem>> -> memref<2320xf32, #tpu.memory_space<vmem>>
      tpu.enqueue_dma source(%dma_start3A_309 : memref<2320xf32, #tpu.memory_space<vmem>>) target(%dma_start3A_308 : memref<2320xf32, #tpu.memory_space<hbm>>) target_semaphore(%arg22 : memref<!tpu.dma_semaphore, #tpu.memory_space<semaphore_mem>>)
      %scan3A_310 = arith.constant 0 : i32
      scf.yield %scan3A_310 : i32
    }
    %scan3A_279 = arith.constant 4 : i32
    %scan3A_280 = arith.constant 0 : i32
    %scan3A_281 = arith.constant 0 : i32
    %scan3A_282 = arith.constant 4 : i32
    %scan3A_283 = arith.addi %scan3A_281, %scan3A_282 : i32
    %scan3A_284 = arith.constant 1 : i32
    %scan3A_285 = scf.for %scan3A_293 = %scan3A_281 to %scan3A_283 step %scan3A_284 iter_args(%scan3A_294 = %scan3A_280) -> (i32)  : i32 {
      %mul3A_295 = arith.constant 16 : i32
      %mul3A_296 = arith.muli %scan3A_293, %mul3A_295 : i32
      %mul3A_297 = arith.constant 145 : i32
      %mul3A_298 = arith.muli %mul3A_296, %mul3A_297 : i32
      %multiple_of3A = tpu.assume_multiple %mul3A_298, 8 : i32
      %mul3A_299 = arith.constant 145 : i32
      %mul3A_300 = arith.muli %mul3A_2, %mul3A_299 : i32
      %add3A_301 = arith.addi %mul3A_300, %multiple_of3A : i32
      %dma_wait3A_302 = tpu.memref_slice %arg12[%multiple_of3A] : memref<9280xf32, #tpu.memory_space<vmem>> -> memref<2320xf32, #tpu.memory_space<vmem>>
      %dma_wait3A_303 = tpu.memref_slice %arg7[%add3A_301] : memref<296960xf32, #tpu.memory_space<hbm>> -> memref<2320xf32, #tpu.memory_space<hbm>>
      %dma_wait3A_304 = tpu.memref_slice %arg7[%add3A_301] : memref<296960xf32, #tpu.memory_space<hbm>> -> memref<2320xf32, #tpu.memory_space<hbm>>
      %dma_wait3A_305 = tpu.memref_slice %arg12[%multiple_of3A] : memref<9280xf32, #tpu.memory_space<vmem>> -> memref<2320xf32, #tpu.memory_space<vmem>>
      tpu.wait_dma2 semaphore(%arg22 : memref<!tpu.dma_semaphore, #tpu.memory_space<semaphore_mem>>) src(%dma_wait3A_305 : memref<2320xf32, #tpu.memory_space<vmem>>) dst(%dma_wait3A_304 : memref<2320xf32, #tpu.memory_space<hbm>>)
      %scan3A_306 = arith.constant 0 : i32
      scf.yield %scan3A_306 : i32
    }
    %scan3A_286 = arith.constant 4 : i32
    %dma_wait3A_287 = tpu.memref_slice %arg9[%mul3A_264] : memref<4096xf32, #tpu.memory_space<hbm>> -> memref<128xf32, #tpu.memory_space<hbm>>
    %dma_wait3A_288 = tpu.memref_slice %arg9[%mul3A_264] : memref<4096xf32, #tpu.memory_space<hbm>> -> memref<128xf32, #tpu.memory_space<hbm>>
    tpu.wait_dma2 semaphore(%arg22 : memref<!tpu.dma_semaphore, #tpu.memory_space<semaphore_mem>>) src(%arg20 : memref<128xf32, #tpu.memory_space<vmem>>) dst(%dma_wait3A_288 : memref<128xf32, #tpu.memory_space<hbm>>)
    %dma_wait3A_289 = tpu.memref_slice %arg10[%mul3A_2] : memref<2048xi32, #tpu.memory_space<hbm>> -> memref<64xi32, #tpu.memory_space<hbm>>
    %dma_wait3A_290 = tpu.memref_slice %arg10[%mul3A_2] : memref<2048xi32, #tpu.memory_space<hbm>> -> memref<64xi32, #tpu.memory_space<hbm>>
    tpu.wait_dma2 semaphore(%arg22 : memref<!tpu.dma_semaphore, #tpu.memory_space<semaphore_mem>>) src(%arg19 : memref<64xi32, #tpu.memory_space<vmem>>) dst(%dma_wait3A_290 : memref<64xi32, #tpu.memory_space<hbm>>)
    %dma_wait3A_291 = tpu.memref_slice %arg8[%mul3A_2] : memref<2048xf32, #tpu.memory_space<hbm>> -> memref<64xf32, #tpu.memory_space<hbm>>
    %dma_wait3A_292 = tpu.memref_slice %arg8[%mul3A_2] : memref<2048xf32, #tpu.memory_space<hbm>> -> memref<64xf32, #tpu.memory_space<hbm>>
    tpu.wait_dma2 semaphore(%arg22 : memref<!tpu.dma_semaphore, #tpu.memory_space<semaphore_mem>>) src(%arg17 : memref<64xf32, #tpu.memory_space<vmem>>) dst(%dma_wait3A_292 : memref<64xf32, #tpu.memory_space<hbm>>)
    return
  }
}

</mosaic_0001>

<sc_bundles>
// kernel: kernel.3.cloned.1.call-start
scs
__scs_entry_jumppad:
0x0: {  	(pc) =	sbr.rel $0x88, $3  }
0x1: {  	(tag) =	ssettag $0x0;
	lr =	simm.s32 $0x1  }
0x2: {  	[smem:$0x3F9C] =	sst lr;
	_ =	strace $0xD0000000  }
0x3: {  	_ = 	snop  }
0x4: {  	_ = 	snop  }
0x5: {  	_ = 	snop  }
0x6: {  	_ = 	snop  }
0x7: {  	_ = 	snop  }
__scs_overlays_trampoline_lowered:
0x8: {  	[smem:$0x3FAB] =	sst s0  }
0x9: {  	[smem:$0x3FAC] =	sst s1  }
0xa: {  	[smem:$0x3FAD] =	sst s2  }
0xb: {  	[smem:$0x3FAE] =	sst s3  }
0xc: {  	[smem:$0x3FAF] =	sst s4  }
0xd: {  	[smem:$0x3FB0] =	sst s5  }
0xe: {  	[smem:$0x3FB1] =	sst s6  }
0xf: {  	[smem:$0x3FB2] =	sst s7  }
0x10: {  	[smem:$0x3FB3] =	sst s8  }
0x11: {  	[smem:$0x3FB4] =	sst s9;
	s0 =	simm.s32 @!p0 $0x0  }
0x12: {  	s1 =	sld [smem:$0x3F9A];
	s0 =	simm.s32 @p0 $0x1  }
0x13: {  	[smem:$0x3FB5] =	sst s0;
	s0 =	simm.s32 @!p1 $0x0  }
0x14: {  	s2 =	sld [smem:$0x3F99];
	s0 =	simm.s32 @p1 $0x1  }
0x15: {  	[smem:$0x3FB6] =	sst s0;
	s0 =	simm.s32 @!p2 $0x0  }
0x16: {  	s3 =	sld [smem:$0x3FDB];
	s0 =	simm.s32 @p2 $0x1  }
0x17: {  	s4 =	simm.s32 $0x1BF5;
	[smem:$0x3FB8] =	sst s0  }
0x18: {  	s0 =	sld [smem:$0x3F9B];
	_ =	swait.ge [sflag:s4], $0x0  }
0x19: {  	s7 =	sld [smem:$0x3F9C]  }
0x1a: {  	s8 =	sadd.s32 $0xFFFFE003, lr  }
0x1b: {  	s9 =	sadd.s32 $0xFFFFFEF7, lr;
	s5 =	simm.s32 $0xFFFFFFFF;
	p2 =	slt.u32 s8, $0xFFFFF086  }
0x1c: {  	p1 =	slt.u32 s9, $0xF7A;
	s5 =	simm.s32 @!p2 $0x0  }
0x1d: {  	s5 =	simm.s32 @p1 $0x1;
	p0 =	seq.s32 s7, s2  }
0x1e: {  	s7 =	smul.u32 @!p0 $0xF7A, s2;
	p2 =	seq.s32 @!p0 s5, $0x0  }
0x1f: {  	s9 =	smul.u32 $0xF7A, s1;
	s8 =	simm.s32 @!p0 $0x1BF5;
	p2 =	por !p2, p0  }
0x20: {  	[sflag:s8] =	ssyncset.s32 @!p0 $0xFFFFF086;
	s6 =	sadd.s32 @!p0 s3, s7;
	s7 =	simm.s32 @!p0 $0x108  }
0x21: {  	s3 =	sadd.s32 s3, s9;
	s6 =	sadd.s32 @!p0 $0x88, s6;
	s7 =	simm.s32 @p2 $0x1082  }
0x22: {  	[simem:s7], [sflag:s8] =	dma.local @!p0 [hbm:s6], $0xF7A  }
0x23: {  	s9 =	sor.u32 $0xD0000000, s2;
	s6 =	simm.s32 $0x108;
	_ =	swait.ge @!p0 [sflag:s8], $0x0  }
0x24: {  	s3 =	sadd.s32 $0x88, s3;
	s6 =	simm.s32 @!p1 $0x1082;
	[sflag:s4] =	ssyncset.s32 $0xFFFFF086  }
0x25: {  	[simem:s6], [sflag:s4] =	dma.local [hbm:s3], $0xF7A  }
0x26: {  	[smem:$0x3F9C] =	sst s1;
	(tag) =	ssettag s2;
	_ =	strace s9  }
0x27: {  	s1 =	sld [smem:$0x3FAC]  }
0x28: {  	s2 =	sld [smem:$0x3FAD]  }
0x29: {  	s4 =	sld [smem:$0x3FAF]  }
0x2a: {  	p0 =	seq.s32 s5, $0x0;
	s5 =	sld [smem:$0x3FB0]  }
0x2b: {  	s6 =	sld [smem:$0x3FB1]  }
0x2c: {  	s7 =	sld [smem:$0x3FB2]  }
0x2d: {  	s3 =	simm.s32 $0x108;
	s8 =	sld [smem:$0x3FB3]  }
0x2e: {  	s3 =	simm.s32 @!p0 $0x1082;
	s9 =	sld [smem:$0x3FB4]  }
0x2f: {  	lr =	sadd.s32 s0, s3;
	s0 =	sld [smem:$0x3FAB]  }
0x30: {  	s3 =	sld [smem:$0x3FAE]  }
0x31: {  	[smem:$0x3FB7] =	sst s10  }
0x32: {  	s10 =	sld [smem:$0x3FB5];
	_ =	sdelay $0x3  }
0x33: {  	p0 =	seq.s32 s10, $0x1;
	s10 =	sld [smem:$0x3FB7];
	_ =	sdelay $0x3  }
0x34: {  	[smem:$0x3FB7] =	sst s10  }
0x35: {  	s10 =	sld [smem:$0x3FB6];
	_ =	sdelay $0x3  }
0x36: {  	p1 =	seq.s32 s10, $0x1;
	s10 =	sld [smem:$0x3FB7];
	_ =	sdelay $0x3  }
0x37: {  	[smem:$0x3FB7] =	sst s10  }
0x38: {  	s10 =	sld [smem:$0x3FB8]  }
0x39: {  	_ = 	snop;
	(pc) =	sbr.ind lr, $3  }
0x3a: {  	_ = 	snop  }
0x3b: {  	_ = 	snop  }
0x3c: {  	p2 =	seq.s32 s10, $0x1;
	s10 =	sld [smem:$0x3FB7]  }
0x3d: {  	_ =	shalt  }
0x3e: {  	_ =	shalt  }
0x3f: {  	_ =	shalt  }
0x40: {  	_ =	shalt  }
0x41: {  	_ =	shalt  }
0x42: {  	_ =	shalt  }
0x43: {  	_ =	shalt  }
0x44: {  	_ =	shalt  }
0x45: {  	_ =	shalt  }
0x46: {  	_ =	shalt  }
0x47: {  	_ =	shalt  }
0x48: {  	_ =	shalt  }
0x49: {  	_ =	shalt  }
0x4a: {  	_ =	shalt  }
0x4b: {  	_ =	shalt  }
0x4c: {  	_ =	shalt  }
0x4d: {  	_ =	shalt  }
0x4e: {  	_ =	shalt  }
0x4f: {  	_ =	shalt  }
0x50: {  	_ =	shalt  }
0x51: {  	_ =	shalt  }
0x52: {  	_ =	shalt  }
0x53: {  	_ =	shalt  }
0x54: {  	_ =	shalt  }
0x55: {  	_ =	shalt  }
0x56: {  	_ =	shalt  }
0x57: {  	_ =	shalt  }
0x58: {  	_ =	shalt  }
0x59: {  	_ =	shalt  }
0x5a: {  	_ =	shalt  }
0x5b: {  	_ =	shalt  }
0x5c: {  	_ =	shalt  }
0x5d: {  	_ =	shalt  }
0x5e: {  	_ =	shalt  }
0x5f: {  	_ =	shalt  }
0x60: {  	_ =	shalt  }
0x61: {  	_ =	shalt  }
0x62: {  	_ =	shalt  }
0x63: {  	_ =	shalt  }
0x64: {  	_ =	shalt  }
0x65: {  	_ =	shalt  }
0x66: {  	_ =	shalt  }
0x67: {  	_ =	shalt  }
0x68: {  	_ =	shalt  }
0x69: {  	_ =	shalt  }
0x6a: {  	_ =	shalt  }
0x6b: {  	_ =	shalt  }
0x6c: {  	_ =	shalt  }
0x6d: {  	_ =	shalt  }
0x6e: {  	_ =	shalt  }
0x6f: {  	_ =	shalt  }
0x70: {  	_ =	shalt  }
0x71: {  	_ =	shalt  }
0x72: {  	_ =	shalt  }
0x73: {  	_ =	shalt  }
0x74: {  	_ =	shalt  }
0x75: {  	_ =	shalt  }
0x76: {  	_ =	shalt  }
0x77: {  	_ =	shalt  }
0x78: {  	_ =	shalt  }
0x79: {  	_ =	shalt  }
0x7a: {  	_ =	shalt  }
0x7b: {  	_ =	shalt  }
0x7c: {  	_ =	shalt  }
0x7d: {  	_ =	shalt  }
0x7e: {  	_ =	shalt  }
0x7f: {  	_ =	shalt  }
0x80: {  	_ =	shalt  }
0x81: {  	_ =	shalt  }
0x82: {  	_ =	shalt  }
0x83: {  	_ =	shalt  }
0x84: {  	_ =	shalt  }
0x85: {  	_ =	shalt  }
0x86: {  	_ =	shalt  }
0x87: {  	_ =	shalt  }
.Lfunc_end0:
.L_simem_size_0:
called_computation_lowered:
.L_overlay_start_0:
0x88: {  	s2 =	sld [smem:$0x3FD9]  }
0x89: {  	s3 =	sld [smem:$0x3FFE];
	_ =	sdelay $0x1  }
0x8a: {  	s1 =	srdreg.scid  }
0x8b: {  	s0 =	sand.u32 $0x1, s1  }
0x8c: {  	s15 =	sshll.u32 s0, $0xA;
	s2 =	sadd.s32 s3, s2  }
0x8d: {  	s2 =	sadd.s32 s2, s15  }
0x8e: {  	[smem:$0x3FC3] =	sst s2  }
0x8f: {  	_ = 	snop  }
0x90: {  	s2 =	sld [smem:$0x3FC9]  }
0x91: {  	s16 =	sld [smem:$0x3FC8]  }
0x92: {  	s4 =	sld [smem:$0x3FD0]  }
0x93: {  	s5 =	sld [smem:$0x3FC7]  }
0x94: {  	s6 =	sld [smem:$0x3FC6]  }
0x95: {  	s8 =	simm.s32 $0xA;
	s9 =	simm.s32 $0x10;
	s7 =	sld [smem:$0x3FC5]  }
0x96: {  	[smem:s9], [sflag:s8] =	dma.local [hbm:s4], $0x1  }
0x97: {  	_ =	swait.eq [sflag:s8], $0x1  }
0x98: {  	s17 =	sld [smem:$0x10]  }
0x99: {  	s18 =	sld [smem:$0x11];
	[sflag:s8] =	ssyncset.done $0x0  }
0x9a: {  	s10 =	sld [smem:$0x12];
	[sflag:s8] =	ssyncadd.s32 $0xFFFFFFFF  }
0x9b: {  	s19 =	sld [smem:$0x13];
	(tm) =	ssettm $0x1  }
0x9c: {  	s11 =	sld [smem:$0x3FFB];
	_ =	sdelay $0x3  }
0x9d: {  	_ =	strace s11  }
0x9e: {  	s11 =	sld [smem:$0x3FFC];
	_ =	sdelay $0x3  }
0x9f: {  	_ =	strace s11  }
0xa0: {  	s11 =	sld [smem:$0x3FFD];
	_ =	sdelay $0x3  }
0xa1: {  	_ =	strace s11  }
0xa2: {  	_ =	strace $0x8FFFFFFF  }
0xa3: {  	s20 =	sld [smem:$0x3FDB];
	_ =	sdelay $0x1  }
0xa4: {  	s12 =	simm.s32 $_scs_section_size  }
0xa5: {  	s13 =	simm.s32 $_size__tile_overlayer_lowered;
	s14 =	simm.s32 $_tile_overlayer_lowered  }
0xa6: {  	s23 =	simm.s32 $0x1BFF;
	s22 =	sshll.u32 s14, $0x1;
	s11 =	sadd.s32 s12, s20  }
0xa7: {  	s21 =	sshll.u32 s13, $0x1;
	s15 =	simm.s32 $0x0;
	s13 =	sadd.s32 s22, s11  }
0xa8: {  	[timem:s15], [sflag:s23] =	dma.local [hbm:s13], s21  }
0xa9: {  	_ =	swait.ge [sflag:s23], s21  }
0xaa: {  	s12 =	ssub.s32 $0x0, s21;
	[sflag:s23] =	ssyncset.done $0x0  }
0xab: {  	[sflag:s23] =	ssyncadd.s32 s12;
	_ =	sdelay $0x1  }
0xac: {  	s24 =	simm.s32 $0x1B8B  }
0xad: {  	_ =	swait.ge [sflag:s24], $0x1  }
0xae: {  	[sflag:s24] =	ssyncset.done $0x0  }
0xaf: {  	s25 =	simm.s32 $0x1B8E;
	[sflag:s24] =	ssyncadd.s32 $0xFFFFFFFF  }
0xb0: {  	s26 =	simm.s32 $execute0_lowered;
	[smem:$0x3FD2] =	sst s25  }
0xb1: {  	s12 =	sshll.u32 s26, $0x1;
	_ =	strace $0x80000046;
	[dreg:$0x1] =	wrdreg $0xFFFFFFFF  }
0xb2: {  	s28 =	simm.s32 $_size_execute0_lowered;
	s11 =	sadd.s32 s11, s12;
	[dreg:$0x0] =	wrdreg $0x0  }
0xb3: {  	s12 =	sshll.u32 s28, $0x1;
	[dreg:$0x2] =	wrdreg s11  }
0xb4: {  	[dreg:$0x3] =	wrdreg s12  }
0xb5: {  	[dreg:$0x4] =	wrdreg $0xC0  }
0xb6: {  	_ =	task [dreg:s15], $0x5FFFF  }
0xb7: {  	[dreg:$0x1] =	wrdreg $0xFFFFFFFF  }
0xb8: {  	[dreg:$0x0] =	wrdreg $0x60  }
0xb9: {  	[dreg:$0x2] =	wrdreg s2  }
0xba: {  	[dreg:$0x3] =	wrdreg s16  }
0xbb: {  	[dreg:$0x4] =	wrdreg s5  }
0xbc: {  	[dreg:$0x5] =	wrdreg s6  }
0xbd: {  	[dreg:$0x6] =	wrdreg s7  }
0xbe: {  	[dreg:$0x7] =	wrdreg s17  }
0xbf: {  	[dreg:$0x8] =	wrdreg s10  }
0xc0: {  	[dreg:$0x9] =	wrdreg s18  }
0xc1: {  	[dreg:$0xa] =	wrdreg s19  }
0xc2: {  	[dreg:$0xb] =	wrdreg $0x9  }
0xc3: {  	_ =	task.clear_ibuf [dreg:s15], $0xCFFFF;
	_ =	strace $0x90000046  }
0xc4: {  	s29 =	simm.s32 $0x9;
	_ =	strace $0x80000048  }
0xc5: {  	_ =	swait.ge [sflag:s29], $0x1  }
0xc6: {  	[sflag:s29] =	ssyncadd.s32 $0xFFFFFFFF  }
0xc7: {  	_ =	strace $0x90000048  }
0xc8: {  	_ =	sfence  }
0xc9: {  	s30 =	sld [smem:$0x0];
	_ =	sdelay $0x2  }
0xca: {  	s31 =	sshll.u32 s1, $0xD;
	s1 =	sshrl.u32 s1, $0x2  }
0xcb: {  	s3 =	sand.u32 $0x4000, s31;
	s1 =	sadd.s32 s1, s30  }
0xcc: {  	s0 =	sor.u32 s3, s0;
	s1 =	sshll.u32 s1, $0x11  }
0xcd: {  	s0 =	sor.u32 s1, s0  }
0xce: {  	s0 =	sadd.s32 $0x8F2B, s0  }
0xcf: {  	[sflag:s0] =	ssyncadd.remote.s32 $0x1  }
0xd0: {  	_ =	sfence.sel $0xFFFF  }
0xd1: {  	[dreg:$0x0] =	wrdreg $0xFFFFFFFF;
	(pc) =	sbr.abs _section_cstart, $3  }
0xd2: {  	[dreg:$0x1] =	wrdreg $0xFFFFFFFF  }
0xd3: {  	_ =	task.clear_ibuf [dreg:s15], $0x2FFFF;
	_ =	strace $0x9FFFFFFF  }
0xd4: {  	(tm) =	ssettm $0x7FFFFFFF  }
0xd5: {  	_ =	shalt  }
tec
execute0_lowered:
.L_overlay_start_1:
0x0: {  	(tag) =	ssettag $0x1  }
0x1: {  	s0 =	rddreg [dreg:$0x0]  }
0x2: {  	s1 =	rddreg [dreg:$0x2]  }
0x3: {  	s2 =	rddreg [dreg:$0x3]  }
0x4: {  	s3 =	rddreg [dreg:$0x5]  }
0x5: {  	s4 =	rddreg [dreg:$0x6]  }
0x6: {  	s8 =	rddreg [dreg:$0x7]  }
0x7: {  	s9 =	rddreg [dreg:$0x8]  }
0x8: {  	s6 =	srdreg.scid;
	s5 =	simm.s32 $0x0;
	s10 =	stileid.u32  }
0x9: {  	s18 =	simm.s32 $0x4B80;
	s19 =	simm.s32 $0x2;
	s22 =	simm.s32 $0x4B00  }
0xa: {  	v0 =	vlaneseq.u32;
	s23 =	simm.s32 $0x4C80;
	s24 =	simm.s32 $0x4A00;
	s25 =	simm.s32 $0x910  }
0xb: {  	s28 =	simm.s32 $0x3;
	s29 =	simm.s32 $0x1;
	s6 =	sand.u32 $0x1, s6;
	v1 =	vmul.u32 $0x2, v0;
	v6 =	vmul.u32 $0x4000, v0;
	v10 =	vor.u32 $0x10, v0  }
0xc: {  	[smem:$0x7FF] =	sst s5;
	s10 =	sshll.u32 s10, $0x1;
	v12 =	vor.u32 $0x20, v0;
	v14 =	vor.u32 $0x30, v0;
	v16 =	vor.u32 $0x40, v0;
	s7 =	ssub.s32 $0x2, s6  }
0xd: {  	v18 =	vor.u32 $0x50, v0;
	v20 =	vor.u32 $0x60, v0;
	v22 =	vor.u32 $0x70, v0;
	_ =	strace $0x80000047;
	s10 =	sor.u32 s6, s10;
	s11 =	sshrl.u32 s7, $0x1  }
0xe: {  	v24 =	vor.u32 $0x80, v0;
	v26 =	vadd.s32 $0x81, v0;
	s12 =	sshll.u32 s10, $0x3;
	s13 =	smul.u32 $0x2440, s10;
	s30 =	sshll.u32 s10, $0x4;
	v2 =	vor.u32 $0x1, v1  }
0xf: {  	v3 =	vor.u32 $0x20, v1;
	v4 =	vor.u32 $0x21, v1;
	v5 =	vor.u32 $0x40, v1;
	s11 =	ssub.s32 s7, s11;
	s6 =	sadd.s32 s1, s12;
	s7 =	sadd.s32 s2, s12  }
0x10: {  	v7 =	vor.u32 $0x41, v1;
	v8 =	vor.u32 $0x60, v1;
	v9 =	vor.u32 $0x61, v1;
	s8 =	sadd.s32 s8, s30;
	s9 =	sadd.s32 s9, s12;
	s10 =	sadd.s32 s4, s12  }
0x11: {  	v11 =	vor.u32 $0x40000, v6;
	v13 =	vor.u32 $0x80000, v6;
	v15 =	vor.u32 $0xC0000, v6;
	s2 =	simm.s32 $0x36A0;
	s4 =	simm.s32 $0x3FB0;
	s31 =	sshrl.u32 s13, $0x3  }
0x12: {  	v17 =	vor.u32 $0x100000, v6;
	v19 =	vor.u32 $0x140000, v6;
	v21 =	vor.u32 $0x180000, v6;
	s1 =	simm.s32 $0x0;
	s11 =	smax.u32 s11, $0x1;
	s12 =	sadd.s32 s3, s31  }
0x13: {  	v23 =	vor.u32 $0x1C0000, v6;
	v25 =	vor.u32 $0x200000, v6;
	v27 =	vadd.s32 $0x204000, v6;
	s13 =	sadd.s32 $0x122, s12;
	s14 =	sadd.s32 $0x244, s12;
	s15 =	sadd.s32 $0x366, s12  }
.LBB2_1:
0x14: {  	s3 =	simm.s32 $0x4900  }
0x15: {  	[tilespmem:s3], [sflag:$0x2] =	stream.linear.gather [hbm4b:s6+s5], $0x40, $0x38;
	[tilespmem:$0x4D00] =	vst v63  }
0x16: {  	s17 =	simm.s32 $0x4980  }
0x17: {  	[tilespmem:s17], [sflag:$0x2] =	stream.linear.gather [hbm4b:s7+s5], $0x40, $0x38;
	[tilespmem:$0x4D00] =	vst v63  }
0x18: {  	s20 =	rddreg [dreg:$0x4]  }
0x19: {  	[tilespmem:s18], [sflag:$0x2] =	stream.linear.gather [hbm4b:s20+s5], $0x80, $0x38;
	[tilespmem:$0x4D00] =	vst v63  }
0x1a: {  	_ =	swait.ge [sflag:s19], $0x40  }
0x1b: {  	[sflag:s19] =	ssyncset.done $0x0  }
0x1c: {  	[sflag:s19] =	ssyncadd.s32 $0xFFFFFFC0  }
0x1d: {  	_ =	swait.ge [sflag:s19], $0x40  }
0x1e: {  	[sflag:s19] =	ssyncset.done $0x0  }
0x1f: {  	[sflag:s19] =	ssyncadd.s32 $0xFFFFFFC0  }
0x20: {  	_ =	swait.ge [sflag:s19], $0x80  }
0x21: {  	[sflag:s19] =	ssyncset.done $0x0  }
0x22: {  	[sflag:s19] =	ssyncadd.s32 $0xFFFFFF80  }
0x23: {  	v28 =	vld [tilespmem:$0x4900]  }
0x24: {  	v29 =	vld [tilespmem:$0x4980]  }
0x25: {  	v30 =	vld [tilespmem:$0x4910]  }
0x26: {  	v31 =	vld [tilespmem:$0x4990]  }
0x27: {  	v32 =	vld [tilespmem:$0x4920]  }
0x28: {  	v33 =	vld [tilespmem:$0x49A0]  }
0x29: {  	v34 =	vld [tilespmem:$0x4930]  }
0x2a: {  	v35 =	vld [tilespmem:$0x49B0]  }
0x2b: {  	v28 =	vshll.u32 v28, $0xE  }
0x2c: {  	v28 =	vadd.s32 v29, v28;
	v29 =	vshll.u32 v30, $0xE  }
0x2d: {  	[tilespmem:$0x4A80] =	vst v28;
	v28 =	vadd.s32 v31, v29;
	v29 =	vshll.u32 v32, $0xE  }
0x2e: {  	[tilespmem:$0x4A90] =	vst v28;
	v28 =	vadd.s32 v33, v29;
	v29 =	vshll.u32 v34, $0xE  }
0x2f: {  	[tilespmem:$0x4AA0] =	vst v28;
	v28 =	vadd.s32 v35, v29  }
0x30: {  	s16 =	simm.s32 $0x40;
	s17 =	simm.s32 $0x4A80;
	s21 =	rddreg [dreg:$0x1];
	[tilespmem:$0x4AB0] =	vst v28  }
0x31: {  	[tilespmem:s22], [sflag:$0x3] =	stream.indirect.gather [hbm4b:s21+s16], $0x1, s17, s16, $0xb8;
	[tilespmem:$0x4D00] =	vst v63  }
0x32: {  	v28 =	vld [tilespmem:$0x4900];
	_ =	sdelay $0x1  }
0x33: {  	v29 =	vld [tilespmem:$0x4980];
	_ =	sdelay $0x2  }
0x34: {  	v30 =	vmul.u32 $0x244000, v28;
	_ =	sdelay $0x1  }
0x35: {  	v30 =	vadd.s32 v29, v30  }
0x36: {  	[tilespmem:$0x4A00] =	vst v30  }
0x37: {  	v28 =	vld.idx.msk [tilespmem:v28+s18+$0x0], $0xffff  }
0x38: {  	v30 =	vand.u32 $0x7F, v29  }
0x39: {  	v29 =	vshrl.u32 v29, $0x7;
	v30 =	vcvt.s32.f32 v30  }
0x3a: {  	v29 =	vcvt.s32.f32 v29  }
0x3b: {  	v30 =	vmul.f32 $4.000000000e+00, v30  }
0x3c: {  	[tilespmem:$0x4C00] =	vst v28;
	v28 =	vmul.f32 $4.000000000e+00, v29  }
0x3d: {  	[tilespmem:v1+s23+$0x0] =	vst.idx.msk $0xffff, v30  }
0x3e: {  	[tilespmem:v2+s23+$0x0] =	vst.idx.msk $0xffff, v28  }
0x3f: {  	v28 =	vld [tilespmem:$0x4910];
	_ =	sdelay $0x1  }
0x40: {  	v29 =	vld [tilespmem:$0x4990];
	_ =	sdelay $0x2  }
0x41: {  	v30 =	vmul.u32 $0x244000, v28;
	_ =	sdelay $0x1  }
0x42: {  	v30 =	vadd.s32 v29, v30  }
0x43: {  	[tilespmem:$0x4A10] =	vst v30  }
0x44: {  	v28 =	vld.idx.msk [tilespmem:v28+s18+$0x0], $0xffff  }
0x45: {  	v30 =	vand.u32 $0x7F, v29  }
0x46: {  	v29 =	vshrl.u32 v29, $0x7;
	v30 =	vcvt.s32.f32 v30  }
0x47: {  	v29 =	vcvt.s32.f32 v29  }
0x48: {  	v30 =	vmul.f32 $4.000000000e+00, v30  }
0x49: {  	[tilespmem:$0x4C10] =	vst v28;
	v28 =	vmul.f32 $4.000000000e+00, v29  }
0x4a: {  	[tilespmem:v3+s23+$0x0] =	vst.idx.msk $0xffff, v30  }
0x4b: {  	[tilespmem:v4+s23+$0x0] =	vst.idx.msk $0xffff, v28  }
0x4c: {  	v28 =	vld [tilespmem:$0x4920];
	_ =	sdelay $0x1  }
0x4d: {  	v29 =	vld [tilespmem:$0x49A0];
	_ =	sdelay $0x2  }
0x4e: {  	v30 =	vmul.u32 $0x244000, v28;
	_ =	sdelay $0x1  }
0x4f: {  	v30 =	vadd.s32 v29, v30  }
0x50: {  	[tilespmem:$0x4A20] =	vst v30  }
0x51: {  	v28 =	vld.idx.msk [tilespmem:v28+s18+$0x0], $0xffff  }
0x52: {  	v30 =	vand.u32 $0x7F, v29  }
0x53: {  	v29 =	vshrl.u32 v29, $0x7;
	v30 =	vcvt.s32.f32 v30  }
0x54: {  	v29 =	vcvt.s32.f32 v29  }
0x55: {  	v30 =	vmul.f32 $4.000000000e+00, v30  }
0x56: {  	[tilespmem:$0x4C20] =	vst v28;
	v28 =	vmul.f32 $4.000000000e+00, v29  }
0x57: {  	[tilespmem:v5+s23+$0x0] =	vst.idx.msk $0xffff, v30  }
0x58: {  	[tilespmem:v7+s23+$0x0] =	vst.idx.msk $0xffff, v28  }
0x59: {  	v28 =	vld [tilespmem:$0x4930];
	_ =	sdelay $0x1  }
0x5a: {  	v29 =	vld [tilespmem:$0x49B0];
	_ =	sdelay $0x2  }
0x5b: {  	v30 =	vmul.u32 $0x244000, v28;
	_ =	sdelay $0x1  }
0x5c: {  	v30 =	vadd.s32 v29, v30  }
0x5d: {  	[tilespmem:$0x4A30] =	vst v30  }
0x5e: {  	v28 =	vld.idx.msk [tilespmem:v28+s18+$0x0], $0xffff  }
0x5f: {  	v30 =	vand.u32 $0x7F, v29  }
0x60: {  	s26 =	simm.s32 $0x0;
	v29 =	vshrl.u32 v29, $0x7;
	v30 =	vcvt.s32.f32 v30  }
0x61: {  	v31 =	vmov s26;
	v29 =	vcvt.s32.f32 v29  }
0x62: {  	v30 =	vmul.f32 $4.000000000e+00, v30  }
0x63: {  	[tilespmem:$0x4C30] =	vst v28;
	v28 =	vmul.f32 $4.000000000e+00, v29  }
0x64: {  	[tilespmem:v8+s23+$0x0] =	vst.idx.msk $0xffff, v30  }
0x65: {  	[tilespmem:v9+s23+$0x0] =	vst.idx.msk $0xffff, v28;
	v28 =	vmul.u32 $0x91, v31  }
0x66: {  	v29 =	vld.idx.msk [tilespmem:v31+s24+$0x0], $0xffff  }
0x67: {  	v30 =	vor.u32 v0, v28  }
0x68: {  	v31 =	vadd.s32 v10, v28  }
0x69: {  	v36 =	vadd.s32 v12, v28  }
0x6a: {  	v37 =	vadd.s32 v14, v28  }
0x6b: {  	v39 =	vadd.s32 v16, v28;
	v38 =	vadd.s32 v6, v29  }
0x6c: {  	v40 =	vadd.s32 v18, v28;
	[tilespmem:v30+s5+$0x0] =	vst.idx.msk $0xffff, v38;
	v30 =	vadd.s32 v11, v29  }
0x6d: {  	[tilespmem:v31+s5+$0x0] =	vst.idx.msk $0xffff, v30;
	v30 =	vadd.s32 v13, v29;
	v31 =	vadd.s32 v20, v28  }
0x6e: {  	v41 =	vadd.s32 v22, v28;
	[tilespmem:v36+s5+$0x0] =	vst.idx.msk $0xffff, v30;
	v30 =	vadd.s32 v15, v29  }
0x6f: {  	v42 =	vadd.s32 v24, v28;
	[tilespmem:v37+s5+$0x0] =	vst.idx.msk $0xffff, v30;
	v30 =	vadd.s32 v17, v29  }
0x70: {  	s30 =	simm.s32 $0x1;
	v28 =	vadd.s32 v26, v28;
	[tilespmem:v39+s5+$0x0] =	vst.idx.msk $0xffff, v30;
	v30 =	vadd.s32 v19, v29  }
0x71: {  	v43 =	vmov s30;
	[tilespmem:v40+s5+$0x0] =	vst.idx.msk $0xffff, v30;
	v30 =	vadd.s32 v21, v29  }
0x72: {  	[tilespmem:v31+s5+$0x0] =	vst.idx.msk $0xffff, v30;
	v30 =	vadd.s32 v23, v29  }
0x73: {  	[tilespmem:v41+s5+$0x0] =	vst.idx.msk $0xffff, v30;
	v30 =	vadd.s32 v25, v29  }
0x74: {  	v29 =	vadd.s32 v27, v29;
	[tilespmem:v42+s5+$0x0] =	vst.idx.msk $0xffff, v30  }
0x75: {  	v30 =	vmul.u32 $0x91, v43;
	[tilespmem:v28+s5+$0x0] =	vst.idx.msk $0xffff, v29  }
0x76: {  	v28 =	vld.idx.msk [tilespmem:v43+s24+$0x0], $0xffff  }
0x77: {  	v29 =	vadd.s32 v0, v30  }
0x78: {  	v31 =	vadd.s32 v10, v30  }
0x79: {  	v44 =	vadd.s32 v12, v30  }
0x7a: {  	v45 =	vadd.s32 v14, v30  }
0x7b: {  	v46 =	vadd.s32 v16, v30;
	v34 =	vadd.s32 v6, v28  }
0x7c: {  	v47 =	vadd.s32 v18, v30;
	[tilespmem:v29+s5+$0x0] =	vst.idx.msk $0xffff, v34;
	v29 =	vadd.s32 v11, v28  }
0x7d: {  	[tilespmem:v31+s5+$0x0] =	vst.idx.msk $0xffff, v29;
	v29 =	vadd.s32 v13, v28;
	v31 =	vadd.s32 v20, v30  }
0x7e: {  	v48 =	vadd.s32 v22, v30;
	[tilespmem:v44+s5+$0x0] =	vst.idx.msk $0xffff, v29;
	v29 =	vadd.s32 v15, v28  }
0x7f: {  	v49 =	vadd.s32 v24, v30;
	[tilespmem:v45+s5+$0x0] =	vst.idx.msk $0xffff, v29;
	v29 =	vadd.s32 v17, v28  }
0x80: {  	s31 =	simm.s32 $0x2;
	v30 =	vadd.s32 v26, v30;
	[tilespmem:v46+s5+$0x0] =	vst.idx.msk $0xffff, v29;
	v29 =	vadd.s32 v19, v28  }
0x81: {  	v50 =	vmov s31;
	[tilespmem:v47+s5+$0x0] =	vst.idx.msk $0xffff, v29;
	v29 =	vadd.s32 v21, v28  }
0x82: {  	[tilespmem:v31+s5+$0x0] =	vst.idx.msk $0xffff, v29;
	v29 =	vadd.s32 v23, v28  }
0x83: {  	[tilespmem:v48+s5+$0x0] =	vst.idx.msk $0xffff, v29;
	v29 =	vadd.s32 v25, v28  }
0x84: {  	v28 =	vadd.s32 v27, v28;
	[tilespmem:v49+s5+$0x0] =	vst.idx.msk $0xffff, v29  }
0x85: {  	v29 =	vmul.u32 $0x91, v50;
	[tilespmem:v30+s5+$0x0] =	vst.idx.msk $0xffff, v28  }
0x86: {  	v28 =	vld.idx.msk [tilespmem:v50+s24+$0x0], $0xffff  }
0x87: {  	v30 =	vadd.s32 v0, v29  }
0x88: {  	v31 =	vadd.s32 v10, v29  }
0x89: {  	v51 =	vadd.s32 v12, v29  }
0x8a: {  	v52 =	vadd.s32 v14, v29  }
0x8b: {  	v53 =	vadd.s32 v16, v29;
	v34 =	vadd.s32 v6, v28  }
0x8c: {  	v54 =	vadd.s32 v18, v29;
	[tilespmem:v30+s5+$0x0] =	vst.idx.msk $0xffff, v34;
	v30 =	vadd.s32 v11, v28  }
0x8d: {  	[tilespmem:v31+s5+$0x0] =	vst.idx.msk $0xffff, v30;
	v30 =	vadd.s32 v13, v28;
	v31 =	vadd.s32 v20, v29  }
0x8e: {  	v55 =	vadd.s32 v22, v29;
	[tilespmem:v51+s5+$0x0] =	vst.idx.msk $0xffff, v30;
	v30 =	vadd.s32 v15, v28  }
0x8f: {  	v56 =	vadd.s32 v24, v29;
	[tilespmem:v52+s5+$0x0] =	vst.idx.msk $0xffff, v30;
	v30 =	vadd.s32 v17, v28  }
0x90: {  	s16 =	simm.s32 $0x3;
	v29 =	vadd.s32 v26, v29;
	[tilespmem:v53+s5+$0x0] =	vst.idx.msk $0xffff, v30;
	v30 =	vadd.s32 v19, v28  }
0x91: {  	v57 =	vmov s16;
	[tilespmem:v54+s5+$0x0] =	vst.idx.msk $0xffff, v30;
	v30 =	vadd.s32 v21, v28  }
0x92: {  	[tilespmem:v31+s5+$0x0] =	vst.idx.msk $0xffff, v30;
	v30 =	vadd.s32 v23, v28  }
0x93: {  	[tilespmem:v55+s5+$0x0] =	vst.idx.msk $0xffff, v30;
	v30 =	vadd.s32 v25, v28  }
0x94: {  	v28 =	vadd.s32 v27, v28;
	[tilespmem:v56+s5+$0x0] =	vst.idx.msk $0xffff, v30  }
0x95: {  	v30 =	vmul.u32 $0x91, v57;
	[tilespmem:v29+s5+$0x0] =	vst.idx.msk $0xffff, v28  }
0x96: {  	v28 =	vld.idx.msk [tilespmem:v57+s24+$0x0], $0xffff  }
0x97: {  	v29 =	vadd.s32 v0, v30  }
0x98: {  	v31 =	vadd.s32 v10, v30  }
0x99: {  	v58 =	vadd.s32 v12, v30  }
0x9a: {  	v59 =	vadd.s32 v14, v30  }
0x9b: {  	v60 =	vadd.s32 v16, v30;
	v34 =	vadd.s32 v6, v28  }
0x9c: {  	v61 =	vadd.s32 v18, v30;
	[tilespmem:v29+s5+$0x0] =	vst.idx.msk $0xffff, v34;
	v29 =	vadd.s32 v11, v28  }
0x9d: {  	[tilespmem:v31+s5+$0x0] =	vst.idx.msk $0xffff, v29;
	v29 =	vadd.s32 v13, v28;
	v31 =	vadd.s32 v20, v30  }
0x9e: {  	v62 =	vadd.s32 v22, v30;
	[tilespmem:v58+s5+$0x0] =	vst.idx.msk $0xffff, v29;
	v29 =	vadd.s32 v15, v28  }
0x9f: {  	v63 =	vadd.s32 v24, v30;
	[tilespmem:v59+s5+$0x0] =	vst.idx.msk $0xffff, v29;
	v29 =	vadd.s32 v17, v28  }
0xa0: {  	s17 =	simm.s32 $0x4;
	v30 =	vadd.s32 v26, v30;
	[tilespmem:v60+s5+$0x0] =	vst.idx.msk $0xffff, v29;
	v29 =	vadd.s32 v19, v28  }
0xa1: {  	v36 =	vmov s17;
	[tilespmem:v61+s5+$0x0] =	vst.idx.msk $0xffff, v29;
	v29 =	vadd.s32 v21, v28  }
0xa2: {  	[tilespmem:v31+s5+$0x0] =	vst.idx.msk $0xffff, v29;
	v29 =	vadd.s32 v23, v28  }
0xa3: {  	[tilespmem:v62+s5+$0x0] =	vst.idx.msk $0xffff, v29;
	v29 =	vadd.s32 v25, v28  }
0xa4: {  	v28 =	vadd.s32 v27, v28;
	[tilespmem:v63+s5+$0x0] =	vst.idx.msk $0xffff, v29  }
0xa5: {  	v29 =	vmul.u32 $0x91, v36;
	[tilespmem:v30+s5+$0x0] =	vst.idx.msk $0xffff, v28  }
0xa6: {  	v28 =	vld.idx.msk [tilespmem:v36+s24+$0x0], $0xffff  }
0xa7: {  	v30 =	vadd.s32 v0, v29  }
0xa8: {  	v31 =	vadd.s32 v10, v29  }
0xa9: {  	v37 =	vadd.s32 v12, v29  }
0xaa: {  	v38 =	vadd.s32 v14, v29  }
0xab: {  	v39 =	vadd.s32 v16, v29;
	v34 =	vadd.s32 v6, v28  }
0xac: {  	v40 =	vadd.s32 v18, v29;
	[tilespmem:v30+s5+$0x0] =	vst.idx.msk $0xffff, v34;
	v30 =	vadd.s32 v11, v28  }
0xad: {  	[tilespmem:v31+s5+$0x0] =	vst.idx.msk $0xffff, v30;
	v30 =	vadd.s32 v13, v28;
	v31 =	vadd.s32 v20, v29  }
0xae: {  	v41 =	vadd.s32 v22, v29;
	[tilespmem:v37+s5+$0x0] =	vst.idx.msk $0xffff, v30;
	v30 =	vadd.s32 v15, v28  }
0xaf: {  	v42 =	vadd.s32 v24, v29;
	[tilespmem:v38+s5+$0x0] =	vst.idx.msk $0xffff, v30;
	v30 =	vadd.s32 v17, v28  }
0xb0: {  	s20 =	simm.s32 $0x5;
	v29 =	vadd.s32 v26, v29;
	[tilespmem:v39+s5+$0x0] =	vst.idx.msk $0xffff, v30;
	v30 =	vadd.s32 v19, v28  }
0xb1: {  	v43 =	vmov s20;
	[tilespmem:v40+s5+$0x0] =	vst.idx.msk $0xffff, v30;
	v30 =	vadd.s32 v21, v28  }
0xb2: {  	[tilespmem:v31+s5+$0x0] =	vst.idx.msk $0xffff, v30;
	v30 =	vadd.s32 v23, v28  }
0xb3: {  	[tilespmem:v41+s5+$0x0] =	vst.idx.msk $0xffff, v30;
	v30 =	vadd.s32 v25, v28  }
0xb4: {  	v28 =	vadd.s32 v27, v28;
	[tilespmem:v42+s5+$0x0] =	vst.idx.msk $0xffff, v30  }
0xb5: {  	v30 =	vmul.u32 $0x91, v43;
	[tilespmem:v29+s5+$0x0] =	vst.idx.msk $0xffff, v28  }
0xb6: {  	v28 =	vld.idx.msk [tilespmem:v43+s24+$0x0], $0xffff  }
0xb7: {  	v29 =	vadd.s32 v0, v30  }
0xb8: {  	v31 =	vadd.s32 v10, v30  }
0xb9: {  	v44 =	vadd.s32 v12, v30  }
0xba: {  	v45 =	vadd.s32 v14, v30  }
0xbb: {  	v46 =	vadd.s32 v16, v30;
	v34 =	vadd.s32 v6, v28  }
0xbc: {  	v47 =	vadd.s32 v18, v30;
	[tilespmem:v29+s5+$0x0] =	vst.idx.msk $0xffff, v34;
	v29 =	vadd.s32 v11, v28  }
0xbd: {  	[tilespmem:v31+s5+$0x0] =	vst.idx.msk $0xffff, v29;
	v29 =	vadd.s32 v13, v28;
	v31 =	vadd.s32 v20, v30  }
0xbe: {  	v48 =	vadd.s32 v22, v30;
	[tilespmem:v44+s5+$0x0] =	vst.idx.msk $0xffff, v29;
	v29 =	vadd.s32 v15, v28  }
0xbf: {  	v49 =	vadd.s32 v24, v30;
	[tilespmem:v45+s5+$0x0] =	vst.idx.msk $0xffff, v29;
	v29 =	vadd.s32 v17, v28  }
0xc0: {  	s21 =	simm.s32 $0x6;
	v30 =	vadd.s32 v26, v30;
	[tilespmem:v46+s5+$0x0] =	vst.idx.msk $0xffff, v29;
	v29 =	vadd.s32 v19, v28  }
0xc1: {  	v50 =	vmov s21;
	[tilespmem:v47+s5+$0x0] =	vst.idx.msk $0xffff, v29;
	v29 =	vadd.s32 v21, v28  }
0xc2: {  	[tilespmem:v31+s5+$0x0] =	vst.idx.msk $0xffff, v29;
	v29 =	vadd.s32 v23, v28  }
0xc3: {  	[tilespmem:v48+s5+$0x0] =	vst.idx.msk $0xffff, v29;
	v29 =	vadd.s32 v25, v28  }
0xc4: {  	v28 =	vadd.s32 v27, v28;
	[tilespmem:v49+s5+$0x0] =	vst.idx.msk $0xffff, v29  }
0xc5: {  	v29 =	vmul.u32 $0x91, v50;
	[tilespmem:v30+s5+$0x0] =	vst.idx.msk $0xffff, v28  }
0xc6: {  	v28 =	vld.idx.msk [tilespmem:v50+s24+$0x0], $0xffff  }
0xc7: {  	v30 =	vadd.s32 v0, v29  }
0xc8: {  	v31 =	vadd.s32 v10, v29  }
0xc9: {  	v51 =	vadd.s32 v12, v29  }
0xca: {  	v52 =	vadd.s32 v14, v29  }
0xcb: {  	v53 =	vadd.s32 v16, v29;
	v34 =	vadd.s32 v6, v28  }
0xcc: {  	v54 =	vadd.s32 v18, v29;
	[tilespmem:v30+s5+$0x0] =	vst.idx.msk $0xffff, v34;
	v30 =	vadd.s32 v11, v28  }
0xcd: {  	[tilespmem:v31+s5+$0x0] =	vst.idx.msk $0xffff, v30;
	v30 =	vadd.s32 v13, v28;
	v31 =	vadd.s32 v20, v29  }
0xce: {  	v55 =	vadd.s32 v22, v29;
	[tilespmem:v51+s5+$0x0] =	vst.idx.msk $0xffff, v30;
	v30 =	vadd.s32 v15, v28  }
0xcf: {  	v56 =	vadd.s32 v24, v29;
	[tilespmem:v52+s5+$0x0] =	vst.idx.msk $0xffff, v30;
	v30 =	vadd.s32 v17, v28  }
0xd0: {  	s26 =	simm.s32 $0x7;
	v29 =	vadd.s32 v26, v29;
	[tilespmem:v53+s5+$0x0] =	vst.idx.msk $0xffff, v30;
	v30 =	vadd.s32 v19, v28  }
0xd1: {  	v57 =	vmov s26;
	[tilespmem:v54+s5+$0x0] =	vst.idx.msk $0xffff, v30;
	v30 =	vadd.s32 v21, v28  }
0xd2: {  	[tilespmem:v31+s5+$0x0] =	vst.idx.msk $0xffff, v30;
	v30 =	vadd.s32 v23, v28  }
0xd3: {  	[tilespmem:v55+s5+$0x0] =	vst.idx.msk $0xffff, v30;
	v30 =	vadd.s32 v25, v28  }
0xd4: {  	v28 =	vadd.s32 v27, v28;
	[tilespmem:v56+s5+$0x0] =	vst.idx.msk $0xffff, v30  }
0xd5: {  	v30 =	vmul.u32 $0x91, v57;
	[tilespmem:v29+s5+$0x0] =	vst.idx.msk $0xffff, v28  }
0xd6: {  	v28 =	vld.idx.msk [tilespmem:v57+s24+$0x0], $0xffff  }
0xd7: {  	v29 =	vadd.s32 v0, v30  }
0xd8: {  	v31 =	vadd.s32 v10, v30  }
0xd9: {  	v58 =	vadd.s32 v12, v30  }
0xda: {  	v59 =	vadd.s32 v14, v30  }
0xdb: {  	v60 =	vadd.s32 v16, v30;
	v34 =	vadd.s32 v6, v28  }
0xdc: {  	v61 =	vadd.s32 v18, v30;
	[tilespmem:v29+s5+$0x0] =	vst.idx.msk $0xffff, v34;
	v29 =	vadd.s32 v11, v28  }
0xdd: {  	[tilespmem:v31+s5+$0x0] =	vst.idx.msk $0xffff, v29;
	v29 =	vadd.s32 v13, v28;
	v31 =	vadd.s32 v20, v30  }
0xde: {  	v62 =	vadd.s32 v22, v30;
	[tilespmem:v58+s5+$0x0] =	vst.idx.msk $0xffff, v29;
	v29 =	vadd.s32 v15, v28  }
0xdf: {  	v63 =	vadd.s32 v24, v30;
	[tilespmem:v59+s5+$0x0] =	vst.idx.msk $0xffff, v29;
	v29 =	vadd.s32 v17, v28  }
0xe0: {  	s30 =	simm.s32 $0x8;
	v30 =	vadd.s32 v26, v30;
	[tilespmem:v60+s5+$0x0] =	vst.idx.msk $0xffff, v29;
	v29 =	vadd.s32 v19, v28  }
0xe1: {  	v36 =	vmov s30;
	[tilespmem:v61+s5+$0x0] =	vst.idx.msk $0xffff, v29;
	v29 =	vadd.s32 v21, v28  }
0xe2: {  	[tilespmem:v31+s5+$0x0] =	vst.idx.msk $0xffff, v29;
	v29 =	vadd.s32 v23, v28  }
0xe3: {  	[tilespmem:v62+s5+$0x0] =	vst.idx.msk $0xffff, v29;
	v29 =	vadd.s32 v25, v28  }
0xe4: {  	v28 =	vadd.s32 v27, v28;
	[tilespmem:v63+s5+$0x0] =	vst.idx.msk $0xffff, v29  }
0xe5: {  	v29 =	vmul.u32 $0x91, v36;
	[tilespmem:v30+s5+$0x0] =	vst.idx.msk $0xffff, v28  }
0xe6: {  	v28 =	vld.idx.msk [tilespmem:v36+s24+$0x0], $0xffff  }
0xe7: {  	v30 =	vadd.s32 v0, v29  }
0xe8: {  	v31 =	vadd.s32 v10, v29  }
0xe9: {  	v37 =	vadd.s32 v12, v29  }
0xea: {  	v38 =	vadd.s32 v14, v29  }
0xeb: {  	v39 =	vadd.s32 v16, v29;
	v34 =	vadd.s32 v6, v28  }
0xec: {  	v40 =	vadd.s32 v18, v29;
	[tilespmem:v30+s5+$0x0] =	vst.idx.msk $0xffff, v34;
	v30 =	vadd.s32 v11, v28  }
0xed: {  	[tilespmem:v31+s5+$0x0] =	vst.idx.msk $0xffff, v30;
	v30 =	vadd.s32 v13, v28;
	v31 =	vadd.s32 v20, v29  }
0xee: {  	v41 =	vadd.s32 v22, v29;
	[tilespmem:v37+s5+$0x0] =	vst.idx.msk $0xffff, v30;
	v30 =	vadd.s32 v15, v28  }
0xef: {  	v42 =	vadd.s32 v24, v29;
	[tilespmem:v38+s5+$0x0] =	vst.idx.msk $0xffff, v30;
	v30 =	vadd.s32 v17, v28  }
0xf0: {  	s31 =	simm.s32 $0x9;
	v29 =	vadd.s32 v26, v29;
	[tilespmem:v39+s5+$0x0] =	vst.idx.msk $0xffff, v30;
	v30 =	vadd.s32 v19, v28  }
0xf1: {  	v43 =	vmov s31;
	[tilespmem:v40+s5+$0x0] =	vst.idx.msk $0xffff, v30;
	v30 =	vadd.s32 v21, v28  }
0xf2: {  	[tilespmem:v31+s5+$0x0] =	vst.idx.msk $0xffff, v30;
	v30 =	vadd.s32 v23, v28  }
0xf3: {  	[tilespmem:v41+s5+$0x0] =	vst.idx.msk $0xffff, v30;
	v30 =	vadd.s32 v25, v28  }
0xf4: {  	v28 =	vadd.s32 v27, v28;
	[tilespmem:v42+s5+$0x0] =	vst.idx.msk $0xffff, v30  }
0xf5: {  	v30 =	vmul.u32 $0x91, v43;
	[tilespmem:v29+s5+$0x0] =	vst.idx.msk $0xffff, v28  }
0xf6: {  	v28 =	vld.idx.msk [tilespmem:v43+s24+$0x0], $0xffff  }
0xf7: {  	v29 =	vadd.s32 v0, v30  }
0xf8: {  	v31 =	vadd.s32 v10, v30  }
0xf9: {  	v44 =	vadd.s32 v12, v30  }
0xfa: {  	v45 =	vadd.s32 v14, v30  }
0xfb: {  	v46 =	vadd.s32 v16, v30;
	v34 =	vadd.s32 v6, v28  }
0xfc: {  	v47 =	vadd.s32 v18, v30;
	[tilespmem:v29+s5+$0x0] =	vst.idx.msk $0xffff, v34;
	v29 =	vadd.s32 v11, v28  }
0xfd: {  	[tilespmem:v31+s5+$0x0] =	vst.idx.msk $0xffff, v29;
	v29 =	vadd.s32 v13, v28;
	v31 =	vadd.s32 v20, v30  }
0xfe: {  	v48 =	vadd.s32 v22, v30;
	[tilespmem:v44+s5+$0x0] =	vst.idx.msk $0xffff, v29;
	v29 =	vadd.s32 v15, v28  }
0xff: {  	v49 =	vadd.s32 v24, v30;
	[tilespmem:v45+s5+$0x0] =	vst.idx.msk $0xffff, v29;
	v29 =	vadd.s32 v17, v28  }
0x100: {  	s16 =	simm.s32 $0xA;
	v30 =	vadd.s32 v26, v30;
	[tilespmem:v46+s5+$0x0] =	vst.idx.msk $0xffff, v29;
	v29 =	vadd.s32 v19, v28  }
0x101: {  	v50 =	vmov s16;
	[tilespmem:v47+s5+$0x0] =	vst.idx.msk $0xffff, v29;
	v29 =	vadd.s32 v21, v28  }
0x102: {  	[tilespmem:v31+s5+$0x0] =	vst.idx.msk $0xffff, v29;
	v29 =	vadd.s32 v23, v28  }
0x103: {  	[tilespmem:v48+s5+$0x0] =	vst.idx.msk $0xffff, v29;
	v29 =	vadd.s32 v25, v28  }
0x104: {  	v28 =	vadd.s32 v27, v28;
	[tilespmem:v49+s5+$0x0] =	vst.idx.msk $0xffff, v29  }
0x105: {  	v29 =	vmul.u32 $0x91, v50;
	[tilespmem:v30+s5+$0x0] =	vst.idx.msk $0xffff, v28  }
0x106: {  	v28 =	vld.idx.msk [tilespmem:v50+s24+$0x0], $0xffff  }
0x107: {  	v30 =	vadd.s32 v0, v29  }
0x108: {  	v31 =	vadd.s32 v10, v29  }
0x109: {  	v51 =	vadd.s32 v12, v29  }
0x10a: {  	v52 =	vadd.s32 v14, v29  }
0x10b: {  	v53 =	vadd.s32 v16, v29;
	v34 =	vadd.s32 v6, v28  }
0x10c: {  	v54 =	vadd.s32 v18, v29;
	[tilespmem:v30+s5+$0x0] =	vst.idx.msk $0xffff, v34;
	v30 =	vadd.s32 v11, v28  }
0x10d: {  	[tilespmem:v31+s5+$0x0] =	vst.idx.msk $0xffff, v30;
	v30 =	vadd.s32 v13, v28;
	v31 =	vadd.s32 v20, v29  }
0x10e: {  	v55 =	vadd.s32 v22, v29;
	[tilespmem:v51+s5+$0x0] =	vst.idx.msk $0xffff, v30;
	v30 =	vadd.s32 v15, v28  }
0x10f: {  	v56 =	vadd.s32 v24, v29;
	[tilespmem:v52+s5+$0x0] =	vst.idx.msk $0xffff, v30;
	v30 =	vadd.s32 v17, v28  }
0x110: {  	s17 =	simm.s32 $0xB;
	v29 =	vadd.s32 v26, v29;
	[tilespmem:v53+s5+$0x0] =	vst.idx.msk $0xffff, v30;
	v30 =	vadd.s32 v19, v28  }
0x111: {  	v57 =	vmov s17;
	[tilespmem:v54+s5+$0x0] =	vst.idx.msk $0xffff, v30;
	v30 =	vadd.s32 v21, v28  }
0x112: {  	[tilespmem:v31+s5+$0x0] =	vst.idx.msk $0xffff, v30;
	v30 =	vadd.s32 v23, v28  }
0x113: {  	[tilespmem:v55+s5+$0x0] =	vst.idx.msk $0xffff, v30;
	v30 =	vadd.s32 v25, v28  }
0x114: {  	v28 =	vadd.s32 v27, v28;
	[tilespmem:v56+s5+$0x0] =	vst.idx.msk $0xffff, v30  }
0x115: {  	v30 =	vmul.u32 $0x91, v57;
	[tilespmem:v29+s5+$0x0] =	vst.idx.msk $0xffff, v28  }
0x116: {  	v28 =	vld.idx.msk [tilespmem:v57+s24+$0x0], $0xffff  }
0x117: {  	v29 =	vadd.s32 v0, v30  }
0x118: {  	v31 =	vadd.s32 v10, v30  }
0x119: {  	v58 =	vadd.s32 v12, v30  }
0x11a: {  	v59 =	vadd.s32 v14, v30  }
0x11b: {  	v60 =	vadd.s32 v16, v30;
	v34 =	vadd.s32 v6, v28  }
0x11c: {  	v61 =	vadd.s32 v18, v30;
	[tilespmem:v29+s5+$0x0] =	vst.idx.msk $0xffff, v34;
	v29 =	vadd.s32 v11, v28  }
0x11d: {  	[tilespmem:v31+s5+$0x0] =	vst.idx.msk $0xffff, v29;
	v29 =	vadd.s32 v13, v28;
	v31 =	vadd.s32 v20, v30  }
0x11e: {  	v62 =	vadd.s32 v22, v30;
	[tilespmem:v58+s5+$0x0] =	vst.idx.msk $0xffff, v29;
	v29 =	vadd.s32 v15, v28  }
0x11f: {  	v63 =	vadd.s32 v24, v30;
	[tilespmem:v59+s5+$0x0] =	vst.idx.msk $0xffff, v29;
	v29 =	vadd.s32 v17, v28  }
0x120: {  	s20 =	simm.s32 $0xC;
	v30 =	vadd.s32 v26, v30;
	[tilespmem:v60+s5+$0x0] =	vst.idx.msk $0xffff, v29;
	v29 =	vadd.s32 v19, v28  }
0x121: {  	v36 =	vmov s20;
	[tilespmem:v61+s5+$0x0] =	vst.idx.msk $0xffff, v29;
	v29 =	vadd.s32 v21, v28  }
0x122: {  	[tilespmem:v31+s5+$0x0] =	vst.idx.msk $0xffff, v29;
	v29 =	vadd.s32 v23, v28  }
0x123: {  	[tilespmem:v62+s5+$0x0] =	vst.idx.msk $0xffff, v29;
	v29 =	vadd.s32 v25, v28  }
0x124: {  	v28 =	vadd.s32 v27, v28;
	[tilespmem:v63+s5+$0x0] =	vst.idx.msk $0xffff, v29  }
0x125: {  	v29 =	vmul.u32 $0x91, v36;
	[tilespmem:v30+s5+$0x0] =	vst.idx.msk $0xffff, v28  }
0x126: {  	v28 =	vld.idx.msk [tilespmem:v36+s24+$0x0], $0xffff  }
0x127: {  	v30 =	vadd.s32 v0, v29  }
0x128: {  	v31 =	vadd.s32 v10, v29  }
0x129: {  	v37 =	vadd.s32 v12, v29  }
0x12a: {  	v38 =	vadd.s32 v14, v29  }
0x12b: {  	v39 =	vadd.s32 v16, v29;
	v34 =	vadd.s32 v6, v28  }
0x12c: {  	v40 =	vadd.s32 v18, v29;
	[tilespmem:v30+s5+$0x0] =	vst.idx.msk $0xffff, v34;
	v30 =	vadd.s32 v11, v28  }
0x12d: {  	[tilespmem:v31+s5+$0x0] =	vst.idx.msk $0xffff, v30;
	v30 =	vadd.s32 v13, v28;
	v31 =	vadd.s32 v20, v29  }
0x12e: {  	v41 =	vadd.s32 v22, v29;
	[tilespmem:v37+s5+$0x0] =	vst.idx.msk $0xffff, v30;
	v30 =	vadd.s32 v15, v28  }
0x12f: {  	v42 =	vadd.s32 v24, v29;
	[tilespmem:v38+s5+$0x0] =	vst.idx.msk $0xffff, v30;
	v30 =	vadd.s32 v17, v28  }
0x130: {  	s21 =	simm.s32 $0xD;
	v29 =	vadd.s32 v26, v29;
	[tilespmem:v39+s5+$0x0] =	vst.idx.msk $0xffff, v30;
	v30 =	vadd.s32 v19, v28  }
0x131: {  	v43 =	vmov s21;
	[tilespmem:v40+s5+$0x0] =	vst.idx.msk $0xffff, v30;
	v30 =	vadd.s32 v21, v28  }
0x132: {  	[tilespmem:v31+s5+$0x0] =	vst.idx.msk $0xffff, v30;
	v30 =	vadd.s32 v23, v28  }
0x133: {  	[tilespmem:v41+s5+$0x0] =	vst.idx.msk $0xffff, v30;
	v30 =	vadd.s32 v25, v28  }
0x134: {  	v28 =	vadd.s32 v27, v28;
	[tilespmem:v42+s5+$0x0] =	vst.idx.msk $0xffff, v30  }
0x135: {  	v30 =	vmul.u32 $0x91, v43;
	[tilespmem:v29+s5+$0x0] =	vst.idx.msk $0xffff, v28  }
0x136: {  	v28 =	vld.idx.msk [tilespmem:v43+s24+$0x0], $0xffff  }
0x137: {  	v29 =	vadd.s32 v0, v30  }
0x138: {  	v31 =	vadd.s32 v10, v30  }
0x139: {  	v44 =	vadd.s32 v12, v30  }
0x13a: {  	v45 =	vadd.s32 v14, v30  }
0x13b: {  	v46 =	vadd.s32 v16, v30;
	v34 =	vadd.s32 v6, v28  }
0x13c: {  	v47 =	vadd.s32 v18, v30;
	[tilespmem:v29+s5+$0x0] =	vst.idx.msk $0xffff, v34;
	v29 =	vadd.s32 v11, v28  }
0x13d: {  	[tilespmem:v31+s5+$0x0] =	vst.idx.msk $0xffff, v29;
	v29 =	vadd.s32 v13, v28;
	v31 =	vadd.s32 v20, v30  }
0x13e: {  	v48 =	vadd.s32 v22, v30;
	[tilespmem:v44+s5+$0x0] =	vst.idx.msk $0xffff, v29;
	v29 =	vadd.s32 v15, v28  }
0x13f: {  	v49 =	vadd.s32 v24, v30;
	[tilespmem:v45+s5+$0x0] =	vst.idx.msk $0xffff, v29;
	v29 =	vadd.s32 v17, v28  }
0x140: {  	s26 =	simm.s32 $0xE;
	v30 =	vadd.s32 v26, v30;
	[tilespmem:v46+s5+$0x0] =	vst.idx.msk $0xffff, v29;
	v29 =	vadd.s32 v19, v28  }
0x141: {  	v50 =	vmov s26;
	[tilespmem:v47+s5+$0x0] =	vst.idx.msk $0xffff, v29;
	v29 =	vadd.s32 v21, v28  }
0x142: {  	[tilespmem:v31+s5+$0x0] =	vst.idx.msk $0xffff, v29;
	v29 =	vadd.s32 v23, v28  }
0x143: {  	[tilespmem:v48+s5+$0x0] =	vst.idx.msk $0xffff, v29;
	v29 =	vadd.s32 v25, v28  }
0x144: {  	v28 =	vadd.s32 v27, v28;
	[tilespmem:v49+s5+$0x0] =	vst.idx.msk $0xffff, v29  }
0x145: {  	v29 =	vmul.u32 $0x91, v50;
	[tilespmem:v30+s5+$0x0] =	vst.idx.msk $0xffff, v28  }
0x146: {  	v28 =	vld.idx.msk [tilespmem:v50+s24+$0x0], $0xffff  }
0x147: {  	v30 =	vadd.s32 v0, v29  }
0x148: {  	v31 =	vadd.s32 v10, v29  }
0x149: {  	v51 =	vadd.s32 v12, v29  }
0x14a: {  	v52 =	vadd.s32 v14, v29  }
0x14b: {  	v53 =	vadd.s32 v16, v29;
	v34 =	vadd.s32 v6, v28  }
0x14c: {  	v54 =	vadd.s32 v18, v29;
	[tilespmem:v30+s5+$0x0] =	vst.idx.msk $0xffff, v34;
	v30 =	vadd.s32 v11, v28  }
0x14d: {  	[tilespmem:v31+s5+$0x0] =	vst.idx.msk $0xffff, v30;
	v30 =	vadd.s32 v13, v28;
	v31 =	vadd.s32 v20, v29  }
0x14e: {  	v55 =	vadd.s32 v22, v29;
	[tilespmem:v51+s5+$0x0] =	vst.idx.msk $0xffff, v30;
	v30 =	vadd.s32 v15, v28  }
0x14f: {  	v56 =	vadd.s32 v24, v29;
	[tilespmem:v52+s5+$0x0] =	vst.idx.msk $0xffff, v30;
	v30 =	vadd.s32 v17, v28  }
0x150: {  	s30 =	simm.s32 $0xF;
	v29 =	vadd.s32 v26, v29;
	[tilespmem:v53+s5+$0x0] =	vst.idx.msk $0xffff, v30;
	v30 =	vadd.s32 v19, v28  }
0x151: {  	v57 =	vmov s30;
	[tilespmem:v54+s5+$0x0] =	vst.idx.msk $0xffff, v30;
	v30 =	vadd.s32 v21, v28  }
0x152: {  	[tilespmem:v31+s5+$0x0] =	vst.idx.msk $0xffff, v30;
	v30 =	vadd.s32 v23, v28  }
0x153: {  	[tilespmem:v55+s5+$0x0] =	vst.idx.msk $0xffff, v30;
	v30 =	vadd.s32 v25, v28  }
0x154: {  	v28 =	vadd.s32 v27, v28;
	[tilespmem:v56+s5+$0x0] =	vst.idx.msk $0xffff, v30  }
0x155: {  	v30 =	vmul.u32 $0x91, v57;
	[tilespmem:v29+s5+$0x0] =	vst.idx.msk $0xffff, v28  }
0x156: {  	v28 =	vld.idx.msk [tilespmem:v57+s24+$0x0], $0xffff  }
0x157: {  	v29 =	vadd.s32 v0, v30  }
0x158: {  	v31 =	vadd.s32 v10, v30  }
0x159: {  	v58 =	vadd.s32 v12, v30  }
0x15a: {  	v59 =	vadd.s32 v14, v30  }
0x15b: {  	v60 =	vadd.s32 v16, v30;
	v34 =	vadd.s32 v6, v28  }
0x15c: {  	v61 =	vadd.s32 v18, v30;
	[tilespmem:v29+s5+$0x0] =	vst.idx.msk $0xffff, v34;
	v29 =	vadd.s32 v11, v28  }
0x15d: {  	[tilespmem:v31+s5+$0x0] =	vst.idx.msk $0xffff, v29;
	v29 =	vadd.s32 v13, v28;
	v31 =	vadd.s32 v20, v30  }
0x15e: {  	v62 =	vadd.s32 v22, v30;
	[tilespmem:v58+s5+$0x0] =	vst.idx.msk $0xffff, v29;
	v29 =	vadd.s32 v15, v28  }
0x15f: {  	[tilespmem:v59+s5+$0x0] =	vst.idx.msk $0xffff, v29;
	v29 =	vadd.s32 v17, v28  }
0x160: {  	v63 =	vadd.s32 v24, v30;
	[tilespmem:v60+s5+$0x0] =	vst.idx.msk $0xffff, v29;
	v29 =	vadd.s32 v19, v28  }
0x161: {  	v30 =	vadd.s32 v26, v30;
	[tilespmem:v61+s5+$0x0] =	vst.idx.msk $0xffff, v29;
	v29 =	vadd.s32 v21, v28  }
0x162: {  	s31 =	simm.s32 $0x10;
	[tilespmem:v31+s5+$0x0] =	vst.idx.msk $0xffff, v29;
	v29 =	vadd.s32 v23, v28  }
0x163: {  	[tilespmem:v62+s5+$0x0] =	vst.idx.msk $0xffff, v29;
	v29 =	vmov s31  }
0x164: {  	v31 =	vadd.s32 v25, v28  }
0x165: {  	s3 =	simm.s32 $0x910;
	s16 =	simm.s32 $0x2D90;
	s17 =	simm.s32 $0x1F;
	[tilespmem:v63+s5+$0x0] =	vst.idx.msk $0xffff, v31;
	v31 =	vadd.s32 v27, v28  }
0x166: {  	s20 =	simm.s32 $0x2F;
	s21 =	simm.s32 $0x2480;
	s26 =	simm.s32 $0x0;
	v28 =	vmul.u32 $0x91, v29;
	[tilespmem:v30+s5+$0x0] =	vst.idx.msk $0xffff, v31  }
.LBB2_2:
0x167: {  	[tilespmem:s21], [sflag:$0x1] =	stream.indirect.gather [hbm4b:s0+s25], $0x1, s26, s25, $0xb8;
	[tilespmem:$0x4D00] =	vst v63  }
0x168: {  	p0 =	sne.s32 s20, $0x3F;
	s30 =	smov.u32 s20;
	s20 =	sadd.s32 $0x10, s20;
	v29 =	vld.idx.msk [tilespmem:v29+s24+$0x0], $0xffff  }
0x169: {  	s26 =	smov.u32 s3;
	s21 =	smov.u32 s16  }
0x16a: {  	v30 =	vor.u32 v0, v28  }
0x16b: {  	v31 =	vadd.s32 v10, v28  }
0x16c: {  	v32 =	vadd.s32 v12, v28  }
0x16d: {  	v33 =	vadd.s32 v14, v28  }
0x16e: {  	v35 =	vadd.s32 v16, v28;
	v34 =	vadd.s32 v6, v29  }
0x16f: {  	[tilespmem:v30+s5+$0x0] =	vst.idx.msk $0xffff, v34;
	v30 =	vadd.s32 v11, v29;
	v34 =	vadd.s32 v18, v28  }
0x170: {  	[tilespmem:v31+s5+$0x0] =	vst.idx.msk $0xffff, v30;
	v30 =	vadd.s32 v13, v29;
	v31 =	vadd.s32 v20, v28  }
0x171: {  	[tilespmem:v32+s5+$0x0] =	vst.idx.msk $0xffff, v30;
	v30 =	vadd.s32 v15, v29;
	v32 =	vadd.s32 v22, v28  }
0x172: {  	[tilespmem:v33+s5+$0x0] =	vst.idx.msk $0xffff, v30;
	v30 =	vadd.s32 v17, v29;
	v33 =	vadd.s32 v24, v28  }
0x173: {  	s31 =	sadd.s32 $0xFFFFFFF2, s17;
	v28 =	vadd.s32 v26, v28;
	[tilespmem:v35+s5+$0x0] =	vst.idx.msk $0xffff, v30;
	v30 =	vadd.s32 v19, v29  }
0x174: {  	[tilespmem:v34+s5+$0x0] =	vst.idx.msk $0xffff, v30;
	v30 =	vadd.s32 v21, v29;
	v34 =	vmov s31  }
0x175: {  	[tilespmem:v31+s5+$0x0] =	vst.idx.msk $0xffff, v30;
	v30 =	vadd.s32 v23, v29;
	v31 =	vmul.u32 $0x91, v34  }
0x176: {  	[tilespmem:v32+s5+$0x0] =	vst.idx.msk $0xffff, v30;
	v30 =	vadd.s32 v25, v29  }
0x177: {  	v29 =	vadd.s32 v27, v29;
	[tilespmem:v33+s5+$0x0] =	vst.idx.msk $0xffff, v30  }
0x178: {  	[tilespmem:v28+s5+$0x0] =	vst.idx.msk $0xffff, v29  }
0x179: {  	v28 =	vld.idx.msk [tilespmem:v34+s24+$0x0], $0xffff;
	_ =	sdelay $0x1  }
0x17a: {  	v29 =	vadd.s32 v0, v31  }
0x17b: {  	v30 =	vadd.s32 v10, v31  }
0x17c: {  	v32 =	vadd.s32 v12, v31  }
0x17d: {  	v33 =	vadd.s32 v14, v31  }
0x17e: {  	v35 =	vadd.s32 v16, v31;
	v34 =	vadd.s32 v6, v28  }
0x17f: {  	[tilespmem:v29+s5+$0x0] =	vst.idx.msk $0xffff, v34;
	v29 =	vadd.s32 v11, v28;
	v34 =	vadd.s32 v18, v31  }
0x180: {  	[tilespmem:v30+s5+$0x0] =	vst.idx.msk $0xffff, v29;
	v29 =	vadd.s32 v13, v28;
	v30 =	vadd.s32 v20, v31  }
0x181: {  	[tilespmem:v32+s5+$0x0] =	vst.idx.msk $0xffff, v29;
	v29 =	vadd.s32 v15, v28;
	v32 =	vadd.s32 v22, v31  }
0x182: {  	[tilespmem:v33+s5+$0x0] =	vst.idx.msk $0xffff, v29;
	v29 =	vadd.s32 v17, v28;
	v33 =	vadd.s32 v24, v31  }
0x183: {  	s31 =	sadd.s32 $0xFFFFFFF3, s17;
	v31 =	vadd.s32 v26, v31;
	[tilespmem:v35+s5+$0x0] =	vst.idx.msk $0xffff, v29;
	v29 =	vadd.s32 v19, v28  }
0x184: {  	[tilespmem:v34+s5+$0x0] =	vst.idx.msk $0xffff, v29;
	v29 =	vadd.s32 v21, v28;
	v34 =	vmov s31  }
0x185: {  	[tilespmem:v30+s5+$0x0] =	vst.idx.msk $0xffff, v29;
	v29 =	vadd.s32 v23, v28;
	v30 =	vmul.u32 $0x91, v34  }
0x186: {  	[tilespmem:v32+s5+$0x0] =	vst.idx.msk $0xffff, v29;
	v29 =	vadd.s32 v25, v28  }
0x187: {  	v28 =	vadd.s32 v27, v28;
	[tilespmem:v33+s5+$0x0] =	vst.idx.msk $0xffff, v29  }
0x188: {  	[tilespmem:v31+s5+$0x0] =	vst.idx.msk $0xffff, v28  }
0x189: {  	v28 =	vld.idx.msk [tilespmem:v34+s24+$0x0], $0xffff;
	_ =	sdelay $0x1  }
0x18a: {  	v29 =	vadd.s32 v0, v30  }
0x18b: {  	v31 =	vadd.s32 v10, v30  }
0x18c: {  	v32 =	vadd.s32 v12, v30  }
0x18d: {  	v33 =	vadd.s32 v14, v30  }
0x18e: {  	v35 =	vadd.s32 v16, v30;
	v34 =	vadd.s32 v6, v28  }
0x18f: {  	[tilespmem:v29+s5+$0x0] =	vst.idx.msk $0xffff, v34;
	v29 =	vadd.s32 v11, v28;
	v34 =	vadd.s32 v18, v30  }
0x190: {  	[tilespmem:v31+s5+$0x0] =	vst.idx.msk $0xffff, v29;
	v29 =	vadd.s32 v13, v28;
	v31 =	vadd.s32 v20, v30  }
0x191: {  	[tilespmem:v32+s5+$0x0] =	vst.idx.msk $0xffff, v29;
	v29 =	vadd.s32 v15, v28;
	v32 =	vadd.s32 v22, v30  }
0x192: {  	[tilespmem:v33+s5+$0x0] =	vst.idx.msk $0xffff, v29;
	v29 =	vadd.s32 v17, v28;
	v33 =	vadd.s32 v24, v30  }
0x193: {  	s31 =	sadd.s32 $0xFFFFFFF4, s17;
	v30 =	vadd.s32 v26, v30;
	[tilespmem:v35+s5+$0x0] =	vst.idx.msk $0xffff, v29;
	v29 =	vadd.s32 v19, v28  }
0x194: {  	[tilespmem:v34+s5+$0x0] =	vst.idx.msk $0xffff, v29;
	v29 =	vadd.s32 v21, v28;
	v34 =	vmov s31  }
0x195: {  	[tilespmem:v31+s5+$0x0] =	vst.idx.msk $0xffff, v29;
	v29 =	vadd.s32 v23, v28;
	v31 =	vmul.u32 $0x91, v34  }
0x196: {  	[tilespmem:v32+s5+$0x0] =	vst.idx.msk $0xffff, v29;
	v29 =	vadd.s32 v25, v28  }
0x197: {  	v28 =	vadd.s32 v27, v28;
	[tilespmem:v33+s5+$0x0] =	vst.idx.msk $0xffff, v29  }
0x198: {  	[tilespmem:v30+s5+$0x0] =	vst.idx.msk $0xffff, v28  }
0x199: {  	v28 =	vld.idx.msk [tilespmem:v34+s24+$0x0], $0xffff;
	_ =	sdelay $0x1  }
0x19a: {  	v29 =	vadd.s32 v0, v31  }
0x19b: {  	v30 =	vadd.s32 v10, v31  }
0x19c: {  	v32 =	vadd.s32 v12, v31  }
0x19d: {  	v33 =	vadd.s32 v14, v31  }
0x19e: {  	v35 =	vadd.s32 v16, v31;
	v34 =	vadd.s32 v6, v28  }
0x19f: {  	[tilespmem:v29+s5+$0x0] =	vst.idx.msk $0xffff, v34;
	v29 =	vadd.s32 v11, v28;
	v34 =	vadd.s32 v18, v31  }
0x1a0: {  	[tilespmem:v30+s5+$0x0] =	vst.idx.msk $0xffff, v29;
	v29 =	vadd.s32 v13, v28;
	v30 =	vadd.s32 v20, v31  }
0x1a1: {  	[tilespmem:v32+s5+$0x0] =	vst.idx.msk $0xffff, v29;
	v29 =	vadd.s32 v15, v28;
	v32 =	vadd.s32 v22, v31  }
0x1a2: {  	[tilespmem:v33+s5+$0x0] =	vst.idx.msk $0xffff, v29;
	v29 =	vadd.s32 v17, v28;
	v33 =	vadd.s32 v24, v31  }
0x1a3: {  	s31 =	sadd.s32 $0xFFFFFFF5, s17;
	v31 =	vadd.s32 v26, v31;
	[tilespmem:v35+s5+$0x0] =	vst.idx.msk $0xffff, v29;
	v29 =	vadd.s32 v19, v28  }
0x1a4: {  	[tilespmem:v34+s5+$0x0] =	vst.idx.msk $0xffff, v29;
	v29 =	vadd.s32 v21, v28;
	v34 =	vmov s31  }
0x1a5: {  	[tilespmem:v30+s5+$0x0] =	vst.idx.msk $0xffff, v29;
	v29 =	vadd.s32 v23, v28;
	v30 =	vmul.u32 $0x91, v34  }
0x1a6: {  	[tilespmem:v32+s5+$0x0] =	vst.idx.msk $0xffff, v29;
	v29 =	vadd.s32 v25, v28  }
0x1a7: {  	v28 =	vadd.s32 v27, v28;
	[tilespmem:v33+s5+$0x0] =	vst.idx.msk $0xffff, v29  }
0x1a8: {  	[tilespmem:v31+s5+$0x0] =	vst.idx.msk $0xffff, v28  }
0x1a9: {  	v28 =	vld.idx.msk [tilespmem:v34+s24+$0x0], $0xffff;
	_ =	sdelay $0x1  }
0x1aa: {  	v29 =	vadd.s32 v0, v30  }
0x1ab: {  	v31 =	vadd.s32 v10, v30  }
0x1ac: {  	v32 =	vadd.s32 v12, v30  }
0x1ad: {  	v33 =	vadd.s32 v14, v30  }
0x1ae: {  	v35 =	vadd.s32 v16, v30;
	v34 =	vadd.s32 v6, v28  }
0x1af: {  	[tilespmem:v29+s5+$0x0] =	vst.idx.msk $0xffff, v34;
	v29 =	vadd.s32 v11, v28;
	v34 =	vadd.s32 v18, v30  }
0x1b0: {  	[tilespmem:v31+s5+$0x0] =	vst.idx.msk $0xffff, v29;
	v29 =	vadd.s32 v13, v28;
	v31 =	vadd.s32 v20, v30  }
0x1b1: {  	[tilespmem:v32+s5+$0x0] =	vst.idx.msk $0xffff, v29;
	v29 =	vadd.s32 v15, v28;
	v32 =	vadd.s32 v22, v30  }
0x1b2: {  	[tilespmem:v33+s5+$0x0] =	vst.idx.msk $0xffff, v29;
	v29 =	vadd.s32 v17, v28;
	v33 =	vadd.s32 v24, v30  }
0x1b3: {  	s31 =	sadd.s32 $0xFFFFFFF6, s17;
	v30 =	vadd.s32 v26, v30;
	[tilespmem:v35+s5+$0x0] =	vst.idx.msk $0xffff, v29;
	v29 =	vadd.s32 v19, v28  }
0x1b4: {  	[tilespmem:v34+s5+$0x0] =	vst.idx.msk $0xffff, v29;
	v29 =	vadd.s32 v21, v28;
	v34 =	vmov s31  }
0x1b5: {  	[tilespmem:v31+s5+$0x0] =	vst.idx.msk $0xffff, v29;
	v29 =	vadd.s32 v23, v28;
	v31 =	vmul.u32 $0x91, v34  }
0x1b6: {  	[tilespmem:v32+s5+$0x0] =	vst.idx.msk $0xffff, v29;
	v29 =	vadd.s32 v25, v28  }
0x1b7: {  	v28 =	vadd.s32 v27, v28;
	[tilespmem:v33+s5+$0x0] =	vst.idx.msk $0xffff, v29  }
0x1b8: {  	[tilespmem:v30+s5+$0x0] =	vst.idx.msk $0xffff, v28  }
0x1b9: {  	v28 =	vld.idx.msk [tilespmem:v34+s24+$0x0], $0xffff;
	_ =	sdelay $0x1  }
0x1ba: {  	v29 =	vadd.s32 v0, v31  }
0x1bb: {  	v30 =	vadd.s32 v10, v31  }
0x1bc: {  	v32 =	vadd.s32 v12, v31  }
0x1bd: {  	v33 =	vadd.s32 v14, v31  }
0x1be: {  	v35 =	vadd.s32 v16, v31;
	v34 =	vadd.s32 v6, v28  }
0x1bf: {  	[tilespmem:v29+s5+$0x0] =	vst.idx.msk $0xffff, v34;
	v29 =	vadd.s32 v11, v28;
	v34 =	vadd.s32 v18, v31  }
0x1c0: {  	[tilespmem:v30+s5+$0x0] =	vst.idx.msk $0xffff, v29;
	v29 =	vadd.s32 v13, v28;
	v30 =	vadd.s32 v20, v31  }
0x1c1: {  	[tilespmem:v32+s5+$0x0] =	vst.idx.msk $0xffff, v29;
	v29 =	vadd.s32 v15, v28;
	v32 =	vadd.s32 v22, v31  }
0x1c2: {  	[tilespmem:v33+s5+$0x0] =	vst.idx.msk $0xffff, v29;
	v29 =	vadd.s32 v17, v28;
	v33 =	vadd.s32 v24, v31  }
0x1c3: {  	s31 =	sadd.s32 $0xFFFFFFF7, s17;
	v31 =	vadd.s32 v26, v31;
	[tilespmem:v35+s5+$0x0] =	vst.idx.msk $0xffff, v29;
	v29 =	vadd.s32 v19, v28  }
0x1c4: {  	[tilespmem:v34+s5+$0x0] =	vst.idx.msk $0xffff, v29;
	v29 =	vadd.s32 v21, v28;
	v34 =	vmov s31  }
0x1c5: {  	[tilespmem:v30+s5+$0x0] =	vst.idx.msk $0xffff, v29;
	v29 =	vadd.s32 v23, v28;
	v30 =	vmul.u32 $0x91, v34  }
0x1c6: {  	[tilespmem:v32+s5+$0x0] =	vst.idx.msk $0xffff, v29;
	v29 =	vadd.s32 v25, v28  }
0x1c7: {  	v28 =	vadd.s32 v27, v28;
	[tilespmem:v33+s5+$0x0] =	vst.idx.msk $0xffff, v29  }
0x1c8: {  	[tilespmem:v31+s5+$0x0] =	vst.idx.msk $0xffff, v28  }
0x1c9: {  	v28 =	vld.idx.msk [tilespmem:v34+s24+$0x0], $0xffff;
	_ =	sdelay $0x1  }
0x1ca: {  	v29 =	vadd.s32 v0, v30  }
0x1cb: {  	v31 =	vadd.s32 v10, v30  }
0x1cc: {  	v32 =	vadd.s32 v12, v30  }
0x1cd: {  	v33 =	vadd.s32 v14, v30  }
0x1ce: {  	v35 =	vadd.s32 v16, v30;
	v34 =	vadd.s32 v6, v28  }
0x1cf: {  	[tilespmem:v29+s5+$0x0] =	vst.idx.msk $0xffff, v34;
	v29 =	vadd.s32 v11, v28;
	v34 =	vadd.s32 v18, v30  }
0x1d0: {  	[tilespmem:v31+s5+$0x0] =	vst.idx.msk $0xffff, v29;
	v29 =	vadd.s32 v13, v28;
	v31 =	vadd.s32 v20, v30  }
0x1d1: {  	[tilespmem:v32+s5+$0x0] =	vst.idx.msk $0xffff, v29;
	v29 =	vadd.s32 v15, v28;
	v32 =	vadd.s32 v22, v30  }
0x1d2: {  	[tilespmem:v33+s5+$0x0] =	vst.idx.msk $0xffff, v29;
	v29 =	vadd.s32 v17, v28;
	v33 =	vadd.s32 v24, v30  }
0x1d3: {  	s31 =	sadd.s32 $0xFFFFFFF8, s17;
	v30 =	vadd.s32 v26, v30;
	[tilespmem:v35+s5+$0x0] =	vst.idx.msk $0xffff, v29;
	v29 =	vadd.s32 v19, v28  }
0x1d4: {  	[tilespmem:v34+s5+$0x0] =	vst.idx.msk $0xffff, v29;
	v29 =	vadd.s32 v21, v28;
	v34 =	vmov s31  }
0x1d5: {  	[tilespmem:v31+s5+$0x0] =	vst.idx.msk $0xffff, v29;
	v29 =	vadd.s32 v23, v28;
	v31 =	vmul.u32 $0x91, v34  }
0x1d6: {  	[tilespmem:v32+s5+$0x0] =	vst.idx.msk $0xffff, v29;
	v29 =	vadd.s32 v25, v28  }
0x1d7: {  	v28 =	vadd.s32 v27, v28;
	[tilespmem:v33+s5+$0x0] =	vst.idx.msk $0xffff, v29  }
0x1d8: {  	[tilespmem:v30+s5+$0x0] =	vst.idx.msk $0xffff, v28  }
0x1d9: {  	v28 =	vld.idx.msk [tilespmem:v34+s24+$0x0], $0xffff;
	_ =	sdelay $0x1  }
0x1da: {  	v29 =	vadd.s32 v0, v31  }
0x1db: {  	v30 =	vadd.s32 v10, v31  }
0x1dc: {  	v32 =	vadd.s32 v12, v31  }
0x1dd: {  	v33 =	vadd.s32 v14, v31  }
0x1de: {  	v35 =	vadd.s32 v16, v31;
	v34 =	vadd.s32 v6, v28  }
0x1df: {  	[tilespmem:v29+s5+$0x0] =	vst.idx.msk $0xffff, v34;
	v29 =	vadd.s32 v11, v28;
	v34 =	vadd.s32 v18, v31  }
0x1e0: {  	[tilespmem:v30+s5+$0x0] =	vst.idx.msk $0xffff, v29;
	v29 =	vadd.s32 v13, v28;
	v30 =	vadd.s32 v20, v31  }
0x1e1: {  	[tilespmem:v32+s5+$0x0] =	vst.idx.msk $0xffff, v29;
	v29 =	vadd.s32 v15, v28;
	v32 =	vadd.s32 v22, v31  }
0x1e2: {  	[tilespmem:v33+s5+$0x0] =	vst.idx.msk $0xffff, v29;
	v29 =	vadd.s32 v17, v28;
	v33 =	vadd.s32 v24, v31  }
0x1e3: {  	s31 =	sadd.s32 $0xFFFFFFF9, s17;
	v31 =	vadd.s32 v26, v31;
	[tilespmem:v35+s5+$0x0] =	vst.idx.msk $0xffff, v29;
	v29 =	vadd.s32 v19, v28  }
0x1e4: {  	[tilespmem:v34+s5+$0x0] =	vst.idx.msk $0xffff, v29;
	v29 =	vadd.s32 v21, v28;
	v34 =	vmov s31  }
0x1e5: {  	[tilespmem:v30+s5+$0x0] =	vst.idx.msk $0xffff, v29;
	v29 =	vadd.s32 v23, v28;
	v30 =	vmul.u32 $0x91, v34  }
0x1e6: {  	[tilespmem:v32+s5+$0x0] =	vst.idx.msk $0xffff, v29;
	v29 =	vadd.s32 v25, v28  }
0x1e7: {  	v28 =	vadd.s32 v27, v28;
	[tilespmem:v33+s5+$0x0] =	vst.idx.msk $0xffff, v29  }
0x1e8: {  	[tilespmem:v31+s5+$0x0] =	vst.idx.msk $0xffff, v28  }
0x1e9: {  	v28 =	vld.idx.msk [tilespmem:v34+s24+$0x0], $0xffff;
	_ =	sdelay $0x1  }
0x1ea: {  	v29 =	vadd.s32 v0, v30  }
0x1eb: {  	v31 =	vadd.s32 v10, v30  }
0x1ec: {  	v32 =	vadd.s32 v12, v30  }
0x1ed: {  	v33 =	vadd.s32 v14, v30  }
0x1ee: {  	v35 =	vadd.s32 v16, v30;
	v34 =	vadd.s32 v6, v28  }
0x1ef: {  	[tilespmem:v29+s5+$0x0] =	vst.idx.msk $0xffff, v34;
	v29 =	vadd.s32 v11, v28;
	v34 =	vadd.s32 v18, v30  }
0x1f0: {  	[tilespmem:v31+s5+$0x0] =	vst.idx.msk $0xffff, v29;
	v29 =	vadd.s32 v13, v28;
	v31 =	vadd.s32 v20, v30  }
0x1f1: {  	[tilespmem:v32+s5+$0x0] =	vst.idx.msk $0xffff, v29;
	v29 =	vadd.s32 v15, v28;
	v32 =	vadd.s32 v22, v30  }
0x1f2: {  	[tilespmem:v33+s5+$0x0] =	vst.idx.msk $0xffff, v29;
	v29 =	vadd.s32 v17, v28;
	v33 =	vadd.s32 v24, v30  }
0x1f3: {  	s31 =	sadd.s32 $0xFFFFFFFA, s17;
	v30 =	vadd.s32 v26, v30;
	[tilespmem:v35+s5+$0x0] =	vst.idx.msk $0xffff, v29;
	v29 =	vadd.s32 v19, v28  }
0x1f4: {  	[tilespmem:v34+s5+$0x0] =	vst.idx.msk $0xffff, v29;
	v29 =	vadd.s32 v21, v28;
	v34 =	vmov s31  }
0x1f5: {  	[tilespmem:v31+s5+$0x0] =	vst.idx.msk $0xffff, v29;
	v29 =	vadd.s32 v23, v28;
	v31 =	vmul.u32 $0x91, v34  }
0x1f6: {  	[tilespmem:v32+s5+$0x0] =	vst.idx.msk $0xffff, v29;
	v29 =	vadd.s32 v25, v28  }
0x1f7: {  	v28 =	vadd.s32 v27, v28;
	[tilespmem:v33+s5+$0x0] =	vst.idx.msk $0xffff, v29  }
0x1f8: {  	[tilespmem:v30+s5+$0x0] =	vst.idx.msk $0xffff, v28  }
0x1f9: {  	v28 =	vld.idx.msk [tilespmem:v34+s24+$0x0], $0xffff;
	_ =	sdelay $0x1  }
0x1fa: {  	v29 =	vadd.s32 v0, v31  }
0x1fb: {  	v30 =	vadd.s32 v10, v31  }
0x1fc: {  	v32 =	vadd.s32 v12, v31  }
0x1fd: {  	v33 =	vadd.s32 v14, v31  }
0x1fe: {  	v35 =	vadd.s32 v16, v31;
	v34 =	vadd.s32 v6, v28  }
0x1ff: {  	[tilespmem:v29+s5+$0x0] =	vst.idx.msk $0xffff, v34;
	v29 =	vadd.s32 v11, v28;
	v34 =	vadd.s32 v18, v31  }
0x200: {  	[tilespmem:v30+s5+$0x0] =	vst.idx.msk $0xffff, v29;
	v29 =	vadd.s32 v13, v28;
	v30 =	vadd.s32 v20, v31  }
0x201: {  	[tilespmem:v32+s5+$0x0] =	vst.idx.msk $0xffff, v29;
	v29 =	vadd.s32 v15, v28;
	v32 =	vadd.s32 v22, v31  }
0x202: {  	[tilespmem:v33+s5+$0x0] =	vst.idx.msk $0xffff, v29;
	v29 =	vadd.s32 v17, v28;
	v33 =	vadd.s32 v24, v31  }
0x203: {  	s31 =	sadd.s32 $0xFFFFFFFB, s17;
	v31 =	vadd.s32 v26, v31;
	[tilespmem:v35+s5+$0x0] =	vst.idx.msk $0xffff, v29;
	v29 =	vadd.s32 v19, v28  }
0x204: {  	[tilespmem:v34+s5+$0x0] =	vst.idx.msk $0xffff, v29;
	v29 =	vadd.s32 v21, v28;
	v34 =	vmov s31  }
0x205: {  	[tilespmem:v30+s5+$0x0] =	vst.idx.msk $0xffff, v29;
	v29 =	vadd.s32 v23, v28;
	v30 =	vmul.u32 $0x91, v34  }
0x206: {  	[tilespmem:v32+s5+$0x0] =	vst.idx.msk $0xffff, v29;
	v29 =	vadd.s32 v25, v28  }
0x207: {  	v28 =	vadd.s32 v27, v28;
	[tilespmem:v33+s5+$0x0] =	vst.idx.msk $0xffff, v29  }
0x208: {  	[tilespmem:v31+s5+$0x0] =	vst.idx.msk $0xffff, v28  }
0x209: {  	v28 =	vld.idx.msk [tilespmem:v34+s24+$0x0], $0xffff;
	_ =	sdelay $0x1  }
0x20a: {  	v29 =	vadd.s32 v0, v30  }
0x20b: {  	v31 =	vadd.s32 v10, v30  }
0x20c: {  	v32 =	vadd.s32 v12, v30  }
0x20d: {  	v33 =	vadd.s32 v14, v30  }
0x20e: {  	v35 =	vadd.s32 v16, v30;
	v34 =	vadd.s32 v6, v28  }
0x20f: {  	[tilespmem:v29+s5+$0x0] =	vst.idx.msk $0xffff, v34;
	v29 =	vadd.s32 v11, v28;
	v34 =	vadd.s32 v18, v30  }
0x210: {  	[tilespmem:v31+s5+$0x0] =	vst.idx.msk $0xffff, v29;
	v29 =	vadd.s32 v13, v28;
	v31 =	vadd.s32 v20, v30  }
0x211: {  	[tilespmem:v32+s5+$0x0] =	vst.idx.msk $0xffff, v29;
	v29 =	vadd.s32 v15, v28;
	v32 =	vadd.s32 v22, v30  }
0x212: {  	[tilespmem:v33+s5+$0x0] =	vst.idx.msk $0xffff, v29;
	v29 =	vadd.s32 v17, v28;
	v33 =	vadd.s32 v24, v30  }
0x213: {  	s31 =	sadd.s32 $0xFFFFFFFC, s17;
	v30 =	vadd.s32 v26, v30;
	[tilespmem:v35+s5+$0x0] =	vst.idx.msk $0xffff, v29;
	v29 =	vadd.s32 v19, v28  }
0x214: {  	[tilespmem:v34+s5+$0x0] =	vst.idx.msk $0xffff, v29;
	v29 =	vadd.s32 v21, v28;
	v34 =	vmov s31  }
0x215: {  	[tilespmem:v31+s5+$0x0] =	vst.idx.msk $0xffff, v29;
	v29 =	vadd.s32 v23, v28;
	v31 =	vmul.u32 $0x91, v34  }
0x216: {  	[tilespmem:v32+s5+$0x0] =	vst.idx.msk $0xffff, v29;
	v29 =	vadd.s32 v25, v28  }
0x217: {  	v28 =	vadd.s32 v27, v28;
	[tilespmem:v33+s5+$0x0] =	vst.idx.msk $0xffff, v29  }
0x218: {  	[tilespmem:v30+s5+$0x0] =	vst.idx.msk $0xffff, v28  }
0x219: {  	v28 =	vld.idx.msk [tilespmem:v34+s24+$0x0], $0xffff;
	_ =	sdelay $0x1  }
0x21a: {  	v29 =	vadd.s32 v0, v31  }
0x21b: {  	v30 =	vadd.s32 v10, v31  }
0x21c: {  	v32 =	vadd.s32 v12, v31  }
0x21d: {  	v33 =	vadd.s32 v14, v31  }
0x21e: {  	v35 =	vadd.s32 v16, v31;
	v34 =	vadd.s32 v6, v28  }
0x21f: {  	[tilespmem:v29+s5+$0x0] =	vst.idx.msk $0xffff, v34;
	v29 =	vadd.s32 v11, v28;
	v34 =	vadd.s32 v18, v31  }
0x220: {  	[tilespmem:v30+s5+$0x0] =	vst.idx.msk $0xffff, v29;
	v29 =	vadd.s32 v13, v28;
	v30 =	vadd.s32 v20, v31  }
0x221: {  	[tilespmem:v32+s5+$0x0] =	vst.idx.msk $0xffff, v29;
	v29 =	vadd.s32 v15, v28;
	v32 =	vadd.s32 v22, v31  }
0x222: {  	[tilespmem:v33+s5+$0x0] =	vst.idx.msk $0xffff, v29;
	v29 =	vadd.s32 v17, v28;
	v33 =	vadd.s32 v24, v31  }
0x223: {  	s31 =	sadd.s32 $0xFFFFFFFD, s17;
	v31 =	vadd.s32 v26, v31;
	[tilespmem:v35+s5+$0x0] =	vst.idx.msk $0xffff, v29;
	v29 =	vadd.s32 v19, v28  }
0x224: {  	[tilespmem:v34+s5+$0x0] =	vst.idx.msk $0xffff, v29;
	v29 =	vadd.s32 v21, v28;
	v34 =	vmov s31  }
0x225: {  	[tilespmem:v30+s5+$0x0] =	vst.idx.msk $0xffff, v29;
	v29 =	vadd.s32 v23, v28;
	v30 =	vmul.u32 $0x91, v34  }
0x226: {  	[tilespmem:v32+s5+$0x0] =	vst.idx.msk $0xffff, v29;
	v29 =	vadd.s32 v25, v28  }
0x227: {  	v28 =	vadd.s32 v27, v28;
	[tilespmem:v33+s5+$0x0] =	vst.idx.msk $0xffff, v29  }
0x228: {  	[tilespmem:v31+s5+$0x0] =	vst.idx.msk $0xffff, v28  }
0x229: {  	v28 =	vld.idx.msk [tilespmem:v34+s24+$0x0], $0xffff;
	_ =	sdelay $0x1  }
0x22a: {  	v29 =	vadd.s32 v0, v30  }
0x22b: {  	v31 =	vadd.s32 v10, v30  }
0x22c: {  	v32 =	vadd.s32 v12, v30  }
0x22d: {  	v33 =	vadd.s32 v14, v30  }
0x22e: {  	v35 =	vadd.s32 v16, v30;
	v34 =	vadd.s32 v6, v28  }
0x22f: {  	[tilespmem:v29+s5+$0x0] =	vst.idx.msk $0xffff, v34;
	v29 =	vadd.s32 v11, v28;
	v34 =	vadd.s32 v18, v30  }
0x230: {  	[tilespmem:v31+s5+$0x0] =	vst.idx.msk $0xffff, v29;
	v29 =	vadd.s32 v13, v28;
	v31 =	vadd.s32 v20, v30  }
0x231: {  	[tilespmem:v32+s5+$0x0] =	vst.idx.msk $0xffff, v29;
	v29 =	vadd.s32 v15, v28;
	v32 =	vadd.s32 v22, v30  }
0x232: {  	[tilespmem:v33+s5+$0x0] =	vst.idx.msk $0xffff, v29;
	v29 =	vadd.s32 v17, v28;
	v33 =	vadd.s32 v24, v30  }
0x233: {  	s31 =	sadd.s32 $0xFFFFFFFE, s17;
	v30 =	vadd.s32 v26, v30;
	[tilespmem:v35+s5+$0x0] =	vst.idx.msk $0xffff, v29;
	v29 =	vadd.s32 v19, v28  }
0x234: {  	[tilespmem:v34+s5+$0x0] =	vst.idx.msk $0xffff, v29;
	v29 =	vadd.s32 v21, v28;
	v34 =	vmov s31  }
0x235: {  	[tilespmem:v31+s5+$0x0] =	vst.idx.msk $0xffff, v29;
	v29 =	vadd.s32 v23, v28;
	v31 =	vmul.u32 $0x91, v34  }
0x236: {  	[tilespmem:v32+s5+$0x0] =	vst.idx.msk $0xffff, v29;
	v29 =	vadd.s32 v25, v28  }
0x237: {  	v28 =	vadd.s32 v27, v28;
	[tilespmem:v33+s5+$0x0] =	vst.idx.msk $0xffff, v29  }
0x238: {  	[tilespmem:v30+s5+$0x0] =	vst.idx.msk $0xffff, v28  }
0x239: {  	v28 =	vld.idx.msk [tilespmem:v34+s24+$0x0], $0xffff;
	_ =	sdelay $0x1  }
0x23a: {  	v29 =	vadd.s32 v0, v31  }
0x23b: {  	v30 =	vadd.s32 v10, v31  }
0x23c: {  	v32 =	vadd.s32 v12, v31  }
0x23d: {  	v33 =	vadd.s32 v14, v31  }
0x23e: {  	v35 =	vadd.s32 v16, v31;
	v34 =	vadd.s32 v6, v28  }
0x23f: {  	[tilespmem:v29+s5+$0x0] =	vst.idx.msk $0xffff, v34;
	v29 =	vadd.s32 v11, v28;
	v34 =	vadd.s32 v18, v31  }
0x240: {  	[tilespmem:v30+s5+$0x0] =	vst.idx.msk $0xffff, v29;
	v29 =	vadd.s32 v13, v28;
	v30 =	vadd.s32 v20, v31  }
0x241: {  	[tilespmem:v32+s5+$0x0] =	vst.idx.msk $0xffff, v29;
	v29 =	vadd.s32 v15, v28;
	v32 =	vadd.s32 v22, v31  }
0x242: {  	[tilespmem:v33+s5+$0x0] =	vst.idx.msk $0xffff, v29;
	v29 =	vadd.s32 v17, v28;
	v33 =	vadd.s32 v24, v31  }
0x243: {  	s31 =	sadd.s32 $0xFFFFFFFF, s17;
	v31 =	vadd.s32 v26, v31;
	[tilespmem:v35+s5+$0x0] =	vst.idx.msk $0xffff, v29;
	v29 =	vadd.s32 v19, v28  }
0x244: {  	[tilespmem:v34+s5+$0x0] =	vst.idx.msk $0xffff, v29;
	v29 =	vadd.s32 v21, v28;
	v34 =	vmov s31  }
0x245: {  	[tilespmem:v30+s5+$0x0] =	vst.idx.msk $0xffff, v29;
	v29 =	vadd.s32 v23, v28;
	v30 =	vmul.u32 $0x91, v34  }
0x246: {  	[tilespmem:v32+s5+$0x0] =	vst.idx.msk $0xffff, v29;
	v29 =	vadd.s32 v25, v28  }
0x247: {  	v28 =	vadd.s32 v27, v28;
	[tilespmem:v33+s5+$0x0] =	vst.idx.msk $0xffff, v29  }
0x248: {  	[tilespmem:v31+s5+$0x0] =	vst.idx.msk $0xffff, v28  }
0x249: {  	v28 =	vld.idx.msk [tilespmem:v34+s24+$0x0], $0xffff;
	_ =	sdelay $0x1  }
0x24a: {  	v29 =	vadd.s32 v0, v30  }
0x24b: {  	v31 =	vadd.s32 v10, v30  }
0x24c: {  	v32 =	vadd.s32 v12, v30  }
0x24d: {  	v33 =	vadd.s32 v14, v30  }
0x24e: {  	v35 =	vadd.s32 v16, v30;
	v34 =	vadd.s32 v6, v28  }
0x24f: {  	[tilespmem:v29+s5+$0x0] =	vst.idx.msk $0xffff, v34;
	v29 =	vadd.s32 v11, v28;
	v34 =	vadd.s32 v18, v30  }
0x250: {  	[tilespmem:v31+s5+$0x0] =	vst.idx.msk $0xffff, v29;
	v29 =	vadd.s32 v13, v28;
	v31 =	vadd.s32 v20, v30  }
0x251: {  	[tilespmem:v32+s5+$0x0] =	vst.idx.msk $0xffff, v29;
	v29 =	vadd.s32 v15, v28;
	v32 =	vadd.s32 v22, v30  }
0x252: {  	[tilespmem:v33+s5+$0x0] =	vst.idx.msk $0xffff, v29;
	v29 =	vadd.s32 v17, v28;
	v33 =	vadd.s32 v24, v30  }
0x253: {  	v30 =	vadd.s32 v26, v30;
	[tilespmem:v35+s5+$0x0] =	vst.idx.msk $0xffff, v29;
	v29 =	vadd.s32 v19, v28  }
0x254: {  	[tilespmem:v34+s5+$0x0] =	vst.idx.msk $0xffff, v29;
	v29 =	vadd.s32 v21, v28;
	v34 =	vmov s17;
	s17 =	smov.u32 s30  }
0x255: {  	[tilespmem:v31+s5+$0x0] =	vst.idx.msk $0xffff, v29;
	v29 =	vadd.s32 v23, v28;
	v31 =	vmul.u32 $0x91, v34  }
0x256: {  	[tilespmem:v32+s5+$0x0] =	vst.idx.msk $0xffff, v29;
	v29 =	vadd.s32 v25, v28  }
0x257: {  	v28 =	vadd.s32 v27, v28;
	[tilespmem:v33+s5+$0x0] =	vst.idx.msk $0xffff, v29  }
0x258: {  	[tilespmem:v30+s5+$0x0] =	vst.idx.msk $0xffff, v28  }
0x259: {  	v30 =	vld.idx.msk [tilespmem:v34+s24+$0x0], $0xffff;
	_ =	sdelay $0x1  }
0x25a: {  	v28 =	vadd.s32 v0, v31  }
0x25b: {  	v29 =	vadd.s32 v10, v31  }
0x25c: {  	v32 =	vadd.s32 v12, v31  }
0x25d: {  	v33 =	vadd.s32 v14, v31  }
0x25e: {  	v35 =	vadd.s32 v16, v31;
	v34 =	vadd.s32 v6, v30  }
0x25f: {  	[tilespmem:v28+s5+$0x0] =	vst.idx.msk $0xffff, v34;
	v28 =	vadd.s32 v11, v30;
	v34 =	vadd.s32 v18, v31  }
0x260: {  	v36 =	vadd.s32 v20, v31;
	[tilespmem:v29+s5+$0x0] =	vst.idx.msk $0xffff, v28;
	v28 =	vadd.s32 v13, v30  }
0x261: {  	[tilespmem:v32+s5+$0x0] =	vst.idx.msk $0xffff, v28;
	v28 =	vadd.s32 v15, v30;
	v32 =	vadd.s32 v22, v31  }
0x262: {  	[tilespmem:v33+s5+$0x0] =	vst.idx.msk $0xffff, v28;
	v28 =	vadd.s32 v17, v30;
	v33 =	vadd.s32 v24, v31  }
0x263: {  	v31 =	vadd.s32 v26, v31;
	[tilespmem:v35+s5+$0x0] =	vst.idx.msk $0xffff, v28;
	v28 =	vadd.s32 v19, v30  }
.Ltmp0:
0x264: {  	s30 =	sadd.s32 $0xFFFFFFF1, s17;
	[tilespmem:v34+s5+$0x0] =	vst.idx.msk $0xffff, v28;
	v28 =	vadd.s32 v21, v30;
	(pc) =	sbr.rel @p0 .LBB2_2-.Ltmp0, $4  }
0x265: {  	v29 =	vmov s30;
	v34 =	vadd.s32 v23, v30;
	[tilespmem:v36+s5+$0x0] =	vst.idx.msk $0xffff, v28  }
0x266: {  	v28 =	vmul.u32 $0x91, v29;
	[tilespmem:v32+s5+$0x0] =	vst.idx.msk $0xffff, v34;
	v32 =	vadd.s32 v25, v30  }
0x267: {  	v30 =	vadd.s32 v27, v30;
	[tilespmem:v33+s5+$0x0] =	vst.idx.msk $0xffff, v32  }
0x268: {  	s3 =	sadd.s32 $0x910, s3;
	s16 =	sadd.s32 $0x910, s16;
	[tilespmem:v31+s5+$0x0] =	vst.idx.msk $0xffff, v30  }
0x269: {  	_ =	sdelay $0x2  }
0x26a: {  	[tilespmem:s21], [sflag:$0x1] =	stream.indirect.gather [hbm4b:s0+s25], $0x1, s26, s25, $0xb8;
	[tilespmem:$0x4D00] =	vst v63  }
0x26b: {  	v29 =	vld.idx.msk [tilespmem:v29+s24+$0x0], $0xffff  }
0x26c: {  	v30 =	vor.u32 v0, v28  }
0x26d: {  	v31 =	vadd.s32 v10, v28  }
0x26e: {  	v32 =	vadd.s32 v12, v28  }
0x26f: {  	v33 =	vadd.s32 v14, v28  }
0x270: {  	v35 =	vadd.s32 v16, v28;
	v34 =	vadd.s32 v6, v29  }
0x271: {  	v41 =	vadd.s32 v18, v28;
	v40 =	vadd.s32 v11, v29;
	[tilespmem:v30+s5+$0x0] =	vst.idx.msk $0xffff, v34  }
0x272: {  	v43 =	vadd.s32 v20, v28;
	v42 =	vadd.s32 v13, v29;
	[tilespmem:v31+s5+$0x0] =	vst.idx.msk $0xffff, v40  }
0x273: {  	v45 =	vadd.s32 v22, v28;
	v44 =	vadd.s32 v15, v29;
	[tilespmem:v32+s5+$0x0] =	vst.idx.msk $0xffff, v42  }
0x274: {  	v47 =	vadd.s32 v24, v28;
	v46 =	vadd.s32 v17, v29;
	[tilespmem:v33+s5+$0x0] =	vst.idx.msk $0xffff, v44  }
0x275: {  	v28 =	vadd.s32 v26, v28;
	s20 =	sadd.s32 $0xFFFFFFF2, s17;
	v48 =	vadd.s32 v19, v29;
	[tilespmem:v35+s5+$0x0] =	vst.idx.msk $0xffff, v46  }
0x276: {  	v50 =	vmov s20;
	v49 =	vadd.s32 v21, v29;
	[tilespmem:v41+s5+$0x0] =	vst.idx.msk $0xffff, v48  }
0x277: {  	v51 =	vadd.s32 v23, v29;
	[tilespmem:v43+s5+$0x0] =	vst.idx.msk $0xffff, v49  }
0x278: {  	v52 =	vadd.s32 v25, v29;
	[tilespmem:v45+s5+$0x0] =	vst.idx.msk $0xffff, v51  }
0x279: {  	v29 =	vadd.s32 v27, v29;
	[tilespmem:v47+s5+$0x0] =	vst.idx.msk $0xffff, v52  }
0x27a: {  	v53 =	vmul.u32 $0x91, v50;
	[tilespmem:v28+s5+$0x0] =	vst.idx.msk $0xffff, v29  }
0x27b: {  	v28 =	vld.idx.msk [tilespmem:v50+s24+$0x0], $0xffff  }
0x27c: {  	v29 =	vadd.s32 v0, v53  }
0x27d: {  	v54 =	vadd.s32 v10, v53  }
0x27e: {  	v55 =	vadd.s32 v12, v53  }
0x27f: {  	v56 =	vadd.s32 v14, v53  }
0x280: {  	v57 =	vadd.s32 v16, v53;
	v34 =	vadd.s32 v6, v28  }
0x281: {  	v58 =	vadd.s32 v18, v53;
	[tilespmem:v29+s5+$0x0] =	vst.idx.msk $0xffff, v34;
	v29 =	vadd.s32 v11, v28  }
0x282: {  	v59 =	vadd.s32 v20, v53;
	[tilespmem:v54+s5+$0x0] =	vst.idx.msk $0xffff, v29;
	v29 =	vadd.s32 v13, v28  }
0x283: {  	v60 =	vadd.s32 v22, v53;
	[tilespmem:v55+s5+$0x0] =	vst.idx.msk $0xffff, v29;
	v29 =	vadd.s32 v15, v28  }
0x284: {  	v61 =	vadd.s32 v24, v53;
	[tilespmem:v56+s5+$0x0] =	vst.idx.msk $0xffff, v29;
	v29 =	vadd.s32 v17, v28  }
0x285: {  	s21 =	sadd.s32 $0xFFFFFFF3, s17;
	v30 =	vadd.s32 v26, v53;
	[tilespmem:v57+s5+$0x0] =	vst.idx.msk $0xffff, v29;
	v29 =	vadd.s32 v19, v28  }
0x286: {  	v62 =	vmov s21;
	[tilespmem:v58+s5+$0x0] =	vst.idx.msk $0xffff, v29;
	v29 =	vadd.s32 v21, v28  }
0x287: {  	[tilespmem:v59+s5+$0x0] =	vst.idx.msk $0xffff, v29;
	v29 =	vadd.s32 v23, v28  }
0x288: {  	[tilespmem:v60+s5+$0x0] =	vst.idx.msk $0xffff, v29;
	v29 =	vadd.s32 v25, v28  }
0x289: {  	v28 =	vadd.s32 v27, v28;
	[tilespmem:v61+s5+$0x0] =	vst.idx.msk $0xffff, v29  }
0x28a: {  	v29 =	vmul.u32 $0x91, v62;
	[tilespmem:v30+s5+$0x0] =	vst.idx.msk $0xffff, v28  }
0x28b: {  	v28 =	vld.idx.msk [tilespmem:v62+s24+$0x0], $0xffff  }
0x28c: {  	v63 =	vadd.s32 v0, v29  }
0x28d: {  	v36 =	vadd.s32 v10, v29  }
0x28e: {  	v37 =	vadd.s32 v12, v29  }
0x28f: {  	v38 =	vadd.s32 v14, v29  }
0x290: {  	v39 =	vadd.s32 v16, v29;
	v34 =	vadd.s32 v6, v28  }
0x291: {  	v41 =	vadd.s32 v18, v29;
	v40 =	vadd.s32 v11, v28;
	[tilespmem:v63+s5+$0x0] =	vst.idx.msk $0xffff, v34  }
0x292: {  	v43 =	vadd.s32 v20, v29;
	v42 =	vadd.s32 v13, v28;
	[tilespmem:v36+s5+$0x0] =	vst.idx.msk $0xffff, v40  }
0x293: {  	v45 =	vadd.s32 v22, v29;
	v44 =	vadd.s32 v15, v28;
	[tilespmem:v37+s5+$0x0] =	vst.idx.msk $0xffff, v42  }
0x294: {  	v47 =	vadd.s32 v24, v29;
	v46 =	vadd.s32 v17, v28;
	[tilespmem:v38+s5+$0x0] =	vst.idx.msk $0xffff, v44  }
0x295: {  	s26 =	sadd.s32 $0xFFFFFFF4, s17;
	v29 =	vadd.s32 v26, v29;
	v48 =	vadd.s32 v19, v28;
	[tilespmem:v39+s5+$0x0] =	vst.idx.msk $0xffff, v46  }
0x296: {  	v50 =	vmov s26;
	v49 =	vadd.s32 v21, v28;
	[tilespmem:v41+s5+$0x0] =	vst.idx.msk $0xffff, v48  }
0x297: {  	v51 =	vadd.s32 v23, v28;
	[tilespmem:v43+s5+$0x0] =	vst.idx.msk $0xffff, v49  }
0x298: {  	v52 =	vadd.s32 v25, v28;
	[tilespmem:v45+s5+$0x0] =	vst.idx.msk $0xffff, v51  }
0x299: {  	v28 =	vadd.s32 v27, v28;
	[tilespmem:v47+s5+$0x0] =	vst.idx.msk $0xffff, v52  }
0x29a: {  	v53 =	vmul.u32 $0x91, v50;
	[tilespmem:v29+s5+$0x0] =	vst.idx.msk $0xffff, v28  }
0x29b: {  	v28 =	vld.idx.msk [tilespmem:v50+s24+$0x0], $0xffff  }
0x29c: {  	v29 =	vadd.s32 v0, v53  }
0x29d: {  	v54 =	vadd.s32 v10, v53  }
0x29e: {  	v55 =	vadd.s32 v12, v53  }
0x29f: {  	v56 =	vadd.s32 v14, v53  }
0x2a0: {  	v57 =	vadd.s32 v16, v53;
	v34 =	vadd.s32 v6, v28  }
0x2a1: {  	v58 =	vadd.s32 v18, v53;
	[tilespmem:v29+s5+$0x0] =	vst.idx.msk $0xffff, v34;
	v29 =	vadd.s32 v11, v28  }
0x2a2: {  	v59 =	vadd.s32 v20, v53;
	[tilespmem:v54+s5+$0x0] =	vst.idx.msk $0xffff, v29;
	v29 =	vadd.s32 v13, v28  }
0x2a3: {  	v60 =	vadd.s32 v22, v53;
	[tilespmem:v55+s5+$0x0] =	vst.idx.msk $0xffff, v29;
	v29 =	vadd.s32 v15, v28  }
0x2a4: {  	v61 =	vadd.s32 v24, v53;
	[tilespmem:v56+s5+$0x0] =	vst.idx.msk $0xffff, v29;
	v29 =	vadd.s32 v17, v28  }
0x2a5: {  	s30 =	sadd.s32 $0xFFFFFFF5, s17;
	v30 =	vadd.s32 v26, v53;
	[tilespmem:v57+s5+$0x0] =	vst.idx.msk $0xffff, v29;
	v29 =	vadd.s32 v19, v28  }
0x2a6: {  	v62 =	vmov s30;
	[tilespmem:v58+s5+$0x0] =	vst.idx.msk $0xffff, v29;
	v29 =	vadd.s32 v21, v28  }
0x2a7: {  	[tilespmem:v59+s5+$0x0] =	vst.idx.msk $0xffff, v29;
	v29 =	vadd.s32 v23, v28  }
0x2a8: {  	[tilespmem:v60+s5+$0x0] =	vst.idx.msk $0xffff, v29;
	v29 =	vadd.s32 v25, v28  }
0x2a9: {  	v28 =	vadd.s32 v27, v28;
	[tilespmem:v61+s5+$0x0] =	vst.idx.msk $0xffff, v29  }
0x2aa: {  	v29 =	vmul.u32 $0x91, v62;
	[tilespmem:v30+s5+$0x0] =	vst.idx.msk $0xffff, v28  }
0x2ab: {  	v28 =	vld.idx.msk [tilespmem:v62+s24+$0x0], $0xffff  }
0x2ac: {  	v63 =	vadd.s32 v0, v29  }
0x2ad: {  	v36 =	vadd.s32 v10, v29  }
0x2ae: {  	v37 =	vadd.s32 v12, v29  }
0x2af: {  	v38 =	vadd.s32 v14, v29  }
0x2b0: {  	v39 =	vadd.s32 v16, v29;
	v34 =	vadd.s32 v6, v28  }
0x2b1: {  	v41 =	vadd.s32 v18, v29;
	v40 =	vadd.s32 v11, v28;
	[tilespmem:v63+s5+$0x0] =	vst.idx.msk $0xffff, v34  }
0x2b2: {  	v43 =	vadd.s32 v20, v29;
	v42 =	vadd.s32 v13, v28;
	[tilespmem:v36+s5+$0x0] =	vst.idx.msk $0xffff, v40  }
0x2b3: {  	v45 =	vadd.s32 v22, v29;
	v44 =	vadd.s32 v15, v28;
	[tilespmem:v37+s5+$0x0] =	vst.idx.msk $0xffff, v42  }
0x2b4: {  	v47 =	vadd.s32 v24, v29;
	v46 =	vadd.s32 v17, v28;
	[tilespmem:v38+s5+$0x0] =	vst.idx.msk $0xffff, v44  }
0x2b5: {  	s31 =	sadd.s32 $0xFFFFFFF6, s17;
	v29 =	vadd.s32 v26, v29;
	v48 =	vadd.s32 v19, v28;
	[tilespmem:v39+s5+$0x0] =	vst.idx.msk $0xffff, v46  }
0x2b6: {  	v50 =	vmov s31;
	v49 =	vadd.s32 v21, v28;
	[tilespmem:v41+s5+$0x0] =	vst.idx.msk $0xffff, v48  }
0x2b7: {  	v51 =	vadd.s32 v23, v28;
	[tilespmem:v43+s5+$0x0] =	vst.idx.msk $0xffff, v49  }
0x2b8: {  	v52 =	vadd.s32 v25, v28;
	[tilespmem:v45+s5+$0x0] =	vst.idx.msk $0xffff, v51  }
0x2b9: {  	v28 =	vadd.s32 v27, v28;
	[tilespmem:v47+s5+$0x0] =	vst.idx.msk $0xffff, v52  }
0x2ba: {  	v53 =	vmul.u32 $0x91, v50;
	[tilespmem:v29+s5+$0x0] =	vst.idx.msk $0xffff, v28  }
0x2bb: {  	v28 =	vld.idx.msk [tilespmem:v50+s24+$0x0], $0xffff  }
0x2bc: {  	v29 =	vadd.s32 v0, v53  }
0x2bd: {  	v54 =	vadd.s32 v10, v53  }
0x2be: {  	v55 =	vadd.s32 v12, v53  }
0x2bf: {  	v56 =	vadd.s32 v14, v53  }
0x2c0: {  	v57 =	vadd.s32 v16, v53;
	v34 =	vadd.s32 v6, v28  }
0x2c1: {  	v58 =	vadd.s32 v18, v53;
	[tilespmem:v29+s5+$0x0] =	vst.idx.msk $0xffff, v34;
	v29 =	vadd.s32 v11, v28  }
0x2c2: {  	v59 =	vadd.s32 v20, v53;
	[tilespmem:v54+s5+$0x0] =	vst.idx.msk $0xffff, v29;
	v29 =	vadd.s32 v13, v28  }
0x2c3: {  	v60 =	vadd.s32 v22, v53;
	[tilespmem:v55+s5+$0x0] =	vst.idx.msk $0xffff, v29;
	v29 =	vadd.s32 v15, v28  }
0x2c4: {  	v61 =	vadd.s32 v24, v53;
	[tilespmem:v56+s5+$0x0] =	vst.idx.msk $0xffff, v29;
	v29 =	vadd.s32 v17, v28  }
0x2c5: {  	s21 =	sadd.s32 $0xFFFFFFF7, s17;
	v30 =	vadd.s32 v26, v53;
	[tilespmem:v57+s5+$0x0] =	vst.idx.msk $0xffff, v29;
	v29 =	vadd.s32 v19, v28  }
0x2c6: {  	v62 =	vmov s21;
	[tilespmem:v58+s5+$0x0] =	vst.idx.msk $0xffff, v29;
	v29 =	vadd.s32 v21, v28  }
0x2c7: {  	[tilespmem:v59+s5+$0x0] =	vst.idx.msk $0xffff, v29;
	v29 =	vadd.s32 v23, v28  }
0x2c8: {  	[tilespmem:v60+s5+$0x0] =	vst.idx.msk $0xffff, v29;
	v29 =	vadd.s32 v25, v28  }
0x2c9: {  	v28 =	vadd.s32 v27, v28;
	[tilespmem:v61+s5+$0x0] =	vst.idx.msk $0xffff, v29  }
0x2ca: {  	v29 =	vmul.u32 $0x91, v62;
	[tilespmem:v30+s5+$0x0] =	vst.idx.msk $0xffff, v28  }
0x2cb: {  	v28 =	vld.idx.msk [tilespmem:v62+s24+$0x0], $0xffff  }
0x2cc: {  	v63 =	vadd.s32 v0, v29  }
0x2cd: {  	v36 =	vadd.s32 v10, v29  }
0x2ce: {  	v37 =	vadd.s32 v12, v29  }
0x2cf: {  	v38 =	vadd.s32 v14, v29  }
0x2d0: {  	v39 =	vadd.s32 v16, v29;
	v34 =	vadd.s32 v6, v28  }
0x2d1: {  	v41 =	vadd.s32 v18, v29;
	v40 =	vadd.s32 v11, v28;
	[tilespmem:v63+s5+$0x0] =	vst.idx.msk $0xffff, v34  }
0x2d2: {  	v43 =	vadd.s32 v20, v29;
	v42 =	vadd.s32 v13, v28;
	[tilespmem:v36+s5+$0x0] =	vst.idx.msk $0xffff, v40  }
0x2d3: {  	v45 =	vadd.s32 v22, v29;
	v44 =	vadd.s32 v15, v28;
	[tilespmem:v37+s5+$0x0] =	vst.idx.msk $0xffff, v42  }
0x2d4: {  	v47 =	vadd.s32 v24, v29;
	v46 =	vadd.s32 v17, v28;
	[tilespmem:v38+s5+$0x0] =	vst.idx.msk $0xffff, v44  }
0x2d5: {  	s26 =	sadd.s32 $0xFFFFFFF8, s17;
	v29 =	vadd.s32 v26, v29;
	v48 =	vadd.s32 v19, v28;
	[tilespmem:v39+s5+$0x0] =	vst.idx.msk $0xffff, v46  }
0x2d6: {  	v50 =	vmov s26;
	v49 =	vadd.s32 v21, v28;
	[tilespmem:v41+s5+$0x0] =	vst.idx.msk $0xffff, v48  }
0x2d7: {  	v51 =	vadd.s32 v23, v28;
	[tilespmem:v43+s5+$0x0] =	vst.idx.msk $0xffff, v49  }
0x2d8: {  	v52 =	vadd.s32 v25, v28;
	[tilespmem:v45+s5+$0x0] =	vst.idx.msk $0xffff, v51  }
0x2d9: {  	v28 =	vadd.s32 v27, v28;
	[tilespmem:v47+s5+$0x0] =	vst.idx.msk $0xffff, v52  }
0x2da: {  	v53 =	vmul.u32 $0x91, v50;
	[tilespmem:v29+s5+$0x0] =	vst.idx.msk $0xffff, v28  }
0x2db: {  	v28 =	vld.idx.msk [tilespmem:v50+s24+$0x0], $0xffff  }
0x2dc: {  	v29 =	vadd.s32 v0, v53  }
0x2dd: {  	v54 =	vadd.s32 v10, v53  }
0x2de: {  	v55 =	vadd.s32 v12, v53  }
0x2df: {  	v56 =	vadd.s32 v14, v53  }
0x2e0: {  	v57 =	vadd.s32 v16, v53;
	v34 =	vadd.s32 v6, v28  }
0x2e1: {  	v58 =	vadd.s32 v18, v53;
	[tilespmem:v29+s5+$0x0] =	vst.idx.msk $0xffff, v34;
	v29 =	vadd.s32 v11, v28  }
0x2e2: {  	v59 =	vadd.s32 v20, v53;
	[tilespmem:v54+s5+$0x0] =	vst.idx.msk $0xffff, v29;
	v29 =	vadd.s32 v13, v28  }
0x2e3: {  	v60 =	vadd.s32 v22, v53;
	[tilespmem:v55+s5+$0x0] =	vst.idx.msk $0xffff, v29;
	v29 =	vadd.s32 v15, v28  }
0x2e4: {  	v61 =	vadd.s32 v24, v53;
	[tilespmem:v56+s5+$0x0] =	vst.idx.msk $0xffff, v29;
	v29 =	vadd.s32 v17, v28  }
0x2e5: {  	s30 =	sadd.s32 $0xFFFFFFF9, s17;
	v30 =	vadd.s32 v26, v53;
	[tilespmem:v57+s5+$0x0] =	vst.idx.msk $0xffff, v29;
	v29 =	vadd.s32 v19, v28  }
0x2e6: {  	v62 =	vmov s30;
	[tilespmem:v58+s5+$0x0] =	vst.idx.msk $0xffff, v29;
	v29 =	vadd.s32 v21, v28  }
0x2e7: {  	[tilespmem:v59+s5+$0x0] =	vst.idx.msk $0xffff, v29;
	v29 =	vadd.s32 v23, v28  }
0x2e8: {  	[tilespmem:v60+s5+$0x0] =	vst.idx.msk $0xffff, v29;
	v29 =	vadd.s32 v25, v28  }
0x2e9: {  	v28 =	vadd.s32 v27, v28;
	[tilespmem:v61+s5+$0x0] =	vst.idx.msk $0xffff, v29  }
0x2ea: {  	v29 =	vmul.u32 $0x91, v62;
	[tilespmem:v30+s5+$0x0] =	vst.idx.msk $0xffff, v28  }
0x2eb: {  	v28 =	vld.idx.msk [tilespmem:v62+s24+$0x0], $0xffff  }
0x2ec: {  	v63 =	vadd.s32 v0, v29  }
0x2ed: {  	v36 =	vadd.s32 v10, v29  }
0x2ee: {  	v37 =	vadd.s32 v12, v29  }
0x2ef: {  	v38 =	vadd.s32 v14, v29  }
0x2f0: {  	v39 =	vadd.s32 v16, v29;
	v34 =	vadd.s32 v6, v28  }
0x2f1: {  	v41 =	vadd.s32 v18, v29;
	v40 =	vadd.s32 v11, v28;
	[tilespmem:v63+s5+$0x0] =	vst.idx.msk $0xffff, v34  }
0x2f2: {  	v43 =	vadd.s32 v20, v29;
	v42 =	vadd.s32 v13, v28;
	[tilespmem:v36+s5+$0x0] =	vst.idx.msk $0xffff, v40  }
0x2f3: {  	v45 =	vadd.s32 v22, v29;
	v44 =	vadd.s32 v15, v28;
	[tilespmem:v37+s5+$0x0] =	vst.idx.msk $0xffff, v42  }
0x2f4: {  	v47 =	vadd.s32 v24, v29;
	v46 =	vadd.s32 v17, v28;
	[tilespmem:v38+s5+$0x0] =	vst.idx.msk $0xffff, v44  }
0x2f5: {  	s31 =	sadd.s32 $0xFFFFFFFA, s17;
	v29 =	vadd.s32 v26, v29;
	v48 =	vadd.s32 v19, v28;
	[tilespmem:v39+s5+$0x0] =	vst.idx.msk $0xffff, v46  }
0x2f6: {  	v50 =	vmov s31;
	v49 =	vadd.s32 v21, v28;
	[tilespmem:v41+s5+$0x0] =	vst.idx.msk $0xffff, v48  }
0x2f7: {  	v51 =	vadd.s32 v23, v28;
	[tilespmem:v43+s5+$0x0] =	vst.idx.msk $0xffff, v49  }
0x2f8: {  	v52 =	vadd.s32 v25, v28;
	[tilespmem:v45+s5+$0x0] =	vst.idx.msk $0xffff, v51  }
0x2f9: {  	v28 =	vadd.s32 v27, v28;
	[tilespmem:v47+s5+$0x0] =	vst.idx.msk $0xffff, v52  }
0x2fa: {  	v53 =	vmul.u32 $0x91, v50;
	[tilespmem:v29+s5+$0x0] =	vst.idx.msk $0xffff, v28  }
0x2fb: {  	v28 =	vld.idx.msk [tilespmem:v50+s24+$0x0], $0xffff  }
0x2fc: {  	v29 =	vadd.s32 v0, v53  }
0x2fd: {  	v54 =	vadd.s32 v10, v53  }
0x2fe: {  	v55 =	vadd.s32 v12, v53  }
0x2ff: {  	v56 =	vadd.s32 v14, v53  }
0x300: {  	v57 =	vadd.s32 v16, v53;
	v34 =	vadd.s32 v6, v28  }
0x301: {  	v58 =	vadd.s32 v18, v53;
	[tilespmem:v29+s5+$0x0] =	vst.idx.msk $0xffff, v34;
	v29 =	vadd.s32 v11, v28  }
0x302: {  	v59 =	vadd.s32 v20, v53;
	[tilespmem:v54+s5+$0x0] =	vst.idx.msk $0xffff, v29;
	v29 =	vadd.s32 v13, v28  }
0x303: {  	v60 =	vadd.s32 v22, v53;
	[tilespmem:v55+s5+$0x0] =	vst.idx.msk $0xffff, v29;
	v29 =	vadd.s32 v15, v28  }
0x304: {  	v61 =	vadd.s32 v24, v53;
	[tilespmem:v56+s5+$0x0] =	vst.idx.msk $0xffff, v29;
	v29 =	vadd.s32 v17, v28  }
0x305: {  	s21 =	sadd.s32 $0xFFFFFFFB, s17;
	v30 =	vadd.s32 v26, v53;
	[tilespmem:v57+s5+$0x0] =	vst.idx.msk $0xffff, v29;
	v29 =	vadd.s32 v19, v28  }
0x306: {  	v62 =	vmov s21;
	[tilespmem:v58+s5+$0x0] =	vst.idx.msk $0xffff, v29;
	v29 =	vadd.s32 v21, v28  }
0x307: {  	[tilespmem:v59+s5+$0x0] =	vst.idx.msk $0xffff, v29;
	v29 =	vadd.s32 v23, v28  }
0x308: {  	[tilespmem:v60+s5+$0x0] =	vst.idx.msk $0xffff, v29;
	v29 =	vadd.s32 v25, v28  }
0x309: {  	v28 =	vadd.s32 v27, v28;
	[tilespmem:v61+s5+$0x0] =	vst.idx.msk $0xffff, v29  }
0x30a: {  	v29 =	vmul.u32 $0x91, v62;
	[tilespmem:v30+s5+$0x0] =	vst.idx.msk $0xffff, v28  }
0x30b: {  	v28 =	vld.idx.msk [tilespmem:v62+s24+$0x0], $0xffff  }
0x30c: {  	v63 =	vadd.s32 v0, v29  }
0x30d: {  	v36 =	vadd.s32 v10, v29  }
0x30e: {  	v37 =	vadd.s32 v12, v29  }
0x30f: {  	v38 =	vadd.s32 v14, v29  }
0x310: {  	v39 =	vadd.s32 v16, v29;
	v34 =	vadd.s32 v6, v28  }
0x311: {  	v41 =	vadd.s32 v18, v29;
	v40 =	vadd.s32 v11, v28;
	[tilespmem:v63+s5+$0x0] =	vst.idx.msk $0xffff, v34  }
0x312: {  	v43 =	vadd.s32 v20, v29;
	v42 =	vadd.s32 v13, v28;
	[tilespmem:v36+s5+$0x0] =	vst.idx.msk $0xffff, v40  }
0x313: {  	v45 =	vadd.s32 v22, v29;
	v44 =	vadd.s32 v15, v28;
	[tilespmem:v37+s5+$0x0] =	vst.idx.msk $0xffff, v42  }
0x314: {  	v47 =	vadd.s32 v24, v29;
	v46 =	vadd.s32 v17, v28;
	[tilespmem:v38+s5+$0x0] =	vst.idx.msk $0xffff, v44  }
0x315: {  	s26 =	sadd.s32 $0xFFFFFFFC, s17;
	v29 =	vadd.s32 v26, v29;
	v48 =	vadd.s32 v19, v28;
	[tilespmem:v39+s5+$0x0] =	vst.idx.msk $0xffff, v46  }
0x316: {  	v50 =	vmov s26;
	v49 =	vadd.s32 v21, v28;
	[tilespmem:v41+s5+$0x0] =	vst.idx.msk $0xffff, v48  }
0x317: {  	v51 =	vadd.s32 v23, v28;
	[tilespmem:v43+s5+$0x0] =	vst.idx.msk $0xffff, v49  }
0x318: {  	v52 =	vadd.s32 v25, v28;
	[tilespmem:v45+s5+$0x0] =	vst.idx.msk $0xffff, v51  }
0x319: {  	v28 =	vadd.s32 v27, v28;
	[tilespmem:v47+s5+$0x0] =	vst.idx.msk $0xffff, v52  }
0x31a: {  	v53 =	vmul.u32 $0x91, v50;
	[tilespmem:v29+s5+$0x0] =	vst.idx.msk $0xffff, v28  }
0x31b: {  	v28 =	vld.idx.msk [tilespmem:v50+s24+$0x0], $0xffff  }
0x31c: {  	v29 =	vadd.s32 v0, v53  }
0x31d: {  	v54 =	vadd.s32 v10, v53  }
0x31e: {  	v55 =	vadd.s32 v12, v53  }
0x31f: {  	v56 =	vadd.s32 v14, v53  }
0x320: {  	v57 =	vadd.s32 v16, v53;
	v34 =	vadd.s32 v6, v28  }
0x321: {  	v58 =	vadd.s32 v18, v53;
	[tilespmem:v29+s5+$0x0] =	vst.idx.msk $0xffff, v34;
	v29 =	vadd.s32 v11, v28  }
0x322: {  	v59 =	vadd.s32 v20, v53;
	[tilespmem:v54+s5+$0x0] =	vst.idx.msk $0xffff, v29;
	v29 =	vadd.s32 v13, v28  }
0x323: {  	v60 =	vadd.s32 v22, v53;
	[tilespmem:v55+s5+$0x0] =	vst.idx.msk $0xffff, v29;
	v29 =	vadd.s32 v15, v28  }
0x324: {  	v61 =	vadd.s32 v24, v53;
	[tilespmem:v56+s5+$0x0] =	vst.idx.msk $0xffff, v29;
	v29 =	vadd.s32 v17, v28  }
0x325: {  	s30 =	sadd.s32 $0xFFFFFFFD, s17;
	v30 =	vadd.s32 v26, v53;
	[tilespmem:v57+s5+$0x0] =	vst.idx.msk $0xffff, v29;
	v29 =	vadd.s32 v19, v28  }
0x326: {  	v62 =	vmov s30;
	[tilespmem:v58+s5+$0x0] =	vst.idx.msk $0xffff, v29;
	v29 =	vadd.s32 v21, v28  }
0x327: {  	[tilespmem:v59+s5+$0x0] =	vst.idx.msk $0xffff, v29;
	v29 =	vadd.s32 v23, v28  }
0x328: {  	[tilespmem:v60+s5+$0x0] =	vst.idx.msk $0xffff, v29;
	v29 =	vadd.s32 v25, v28  }
0x329: {  	v28 =	vadd.s32 v27, v28;
	[tilespmem:v61+s5+$0x0] =	vst.idx.msk $0xffff, v29  }
0x32a: {  	v29 =	vmul.u32 $0x91, v62;
	[tilespmem:v30+s5+$0x0] =	vst.idx.msk $0xffff, v28  }
0x32b: {  	v28 =	vld.idx.msk [tilespmem:v62+s24+$0x0], $0xffff  }
0x32c: {  	v63 =	vadd.s32 v0, v29  }
0x32d: {  	v36 =	vadd.s32 v10, v29  }
0x32e: {  	v37 =	vadd.s32 v12, v29  }
0x32f: {  	v38 =	vadd.s32 v14, v29  }
0x330: {  	v39 =	vadd.s32 v16, v29;
	v34 =	vadd.s32 v6, v28  }
0x331: {  	v41 =	vadd.s32 v18, v29;
	v40 =	vadd.s32 v11, v28;
	[tilespmem:v63+s5+$0x0] =	vst.idx.msk $0xffff, v34  }
0x332: {  	v43 =	vadd.s32 v20, v29;
	v42 =	vadd.s32 v13, v28;
	[tilespmem:v36+s5+$0x0] =	vst.idx.msk $0xffff, v40  }
0x333: {  	v45 =	vadd.s32 v22, v29;
	v44 =	vadd.s32 v15, v28;
	[tilespmem:v37+s5+$0x0] =	vst.idx.msk $0xffff, v42  }
0x334: {  	v47 =	vadd.s32 v24, v29;
	v46 =	vadd.s32 v17, v28;
	[tilespmem:v38+s5+$0x0] =	vst.idx.msk $0xffff, v44  }
0x335: {  	s31 =	sadd.s32 $0xFFFFFFFE, s17;
	v29 =	vadd.s32 v26, v29;
	v48 =	vadd.s32 v19, v28;
	[tilespmem:v39+s5+$0x0] =	vst.idx.msk $0xffff, v46  }
0x336: {  	v50 =	vmov s31;
	v49 =	vadd.s32 v21, v28;
	[tilespmem:v41+s5+$0x0] =	vst.idx.msk $0xffff, v48  }
0x337: {  	v51 =	vadd.s32 v23, v28;
	[tilespmem:v43+s5+$0x0] =	vst.idx.msk $0xffff, v49  }
0x338: {  	v52 =	vadd.s32 v25, v28;
	[tilespmem:v45+s5+$0x0] =	vst.idx.msk $0xffff, v51  }
0x339: {  	v28 =	vadd.s32 v27, v28;
	[tilespmem:v47+s5+$0x0] =	vst.idx.msk $0xffff, v52  }
0x33a: {  	v53 =	vmul.u32 $0x91, v50;
	[tilespmem:v29+s5+$0x0] =	vst.idx.msk $0xffff, v28  }
0x33b: {  	v28 =	vld.idx.msk [tilespmem:v50+s24+$0x0], $0xffff  }
0x33c: {  	v29 =	vadd.s32 v0, v53  }
0x33d: {  	v54 =	vadd.s32 v10, v53  }
0x33e: {  	v55 =	vadd.s32 v12, v53  }
0x33f: {  	v56 =	vadd.s32 v14, v53  }
0x340: {  	v57 =	vadd.s32 v16, v53;
	v34 =	vadd.s32 v6, v28  }
0x341: {  	v58 =	vadd.s32 v18, v53;
	[tilespmem:v29+s5+$0x0] =	vst.idx.msk $0xffff, v34;
	v29 =	vadd.s32 v11, v28  }
0x342: {  	v59 =	vadd.s32 v20, v53;
	[tilespmem:v54+s5+$0x0] =	vst.idx.msk $0xffff, v29;
	v29 =	vadd.s32 v13, v28  }
0x343: {  	v60 =	vadd.s32 v22, v53;
	[tilespmem:v55+s5+$0x0] =	vst.idx.msk $0xffff, v29;
	v29 =	vadd.s32 v15, v28  }
0x344: {  	v61 =	vadd.s32 v24, v53;
	[tilespmem:v56+s5+$0x0] =	vst.idx.msk $0xffff, v29;
	v29 =	vadd.s32 v17, v28  }
0x345: {  	s21 =	sadd.s32 $0xFFFFFFFF, s17;
	v30 =	vadd.s32 v26, v53;
	[tilespmem:v57+s5+$0x0] =	vst.idx.msk $0xffff, v29;
	v29 =	vadd.s32 v19, v28  }
0x346: {  	v62 =	vmov s21;
	[tilespmem:v58+s5+$0x0] =	vst.idx.msk $0xffff, v29;
	v29 =	vadd.s32 v21, v28  }
0x347: {  	[tilespmem:v59+s5+$0x0] =	vst.idx.msk $0xffff, v29;
	v29 =	vadd.s32 v23, v28  }
0x348: {  	[tilespmem:v60+s5+$0x0] =	vst.idx.msk $0xffff, v29;
	v29 =	vadd.s32 v25, v28  }
0x349: {  	v28 =	vadd.s32 v27, v28;
	[tilespmem:v61+s5+$0x0] =	vst.idx.msk $0xffff, v29  }
0x34a: {  	v29 =	vmul.u32 $0x91, v62;
	[tilespmem:v30+s5+$0x0] =	vst.idx.msk $0xffff, v28  }
0x34b: {  	v28 =	vld.idx.msk [tilespmem:v62+s24+$0x0], $0xffff  }
0x34c: {  	v63 =	vadd.s32 v0, v29  }
0x34d: {  	v36 =	vadd.s32 v10, v29  }
0x34e: {  	v37 =	vadd.s32 v12, v29  }
0x34f: {  	v38 =	vadd.s32 v14, v29  }
0x350: {  	v40 =	vadd.s32 v16, v29;
	v39 =	vadd.s32 v6, v28  }
0x351: {  	v42 =	vadd.s32 v18, v29;
	v41 =	vadd.s32 v11, v28;
	[tilespmem:v63+s5+$0x0] =	vst.idx.msk $0xffff, v39  }
0x352: {  	v44 =	vadd.s32 v20, v29;
	v43 =	vadd.s32 v13, v28;
	[tilespmem:v36+s5+$0x0] =	vst.idx.msk $0xffff, v41  }
0x353: {  	v46 =	vadd.s32 v22, v29;
	v45 =	vadd.s32 v15, v28;
	[tilespmem:v37+s5+$0x0] =	vst.idx.msk $0xffff, v43  }
0x354: {  	v48 =	vadd.s32 v24, v29;
	v47 =	vadd.s32 v17, v28;
	[tilespmem:v38+s5+$0x0] =	vst.idx.msk $0xffff, v45  }
0x355: {  	v29 =	vadd.s32 v26, v29;
	v49 =	vadd.s32 v19, v28;
	[tilespmem:v40+s5+$0x0] =	vst.idx.msk $0xffff, v47  }
0x356: {  	v50 =	vmov s17;
	v51 =	vadd.s32 v21, v28;
	[tilespmem:v42+s5+$0x0] =	vst.idx.msk $0xffff, v49  }
0x357: {  	v52 =	vadd.s32 v23, v28;
	[tilespmem:v44+s5+$0x0] =	vst.idx.msk $0xffff, v51  }
0x358: {  	v53 =	vadd.s32 v25, v28;
	[tilespmem:v46+s5+$0x0] =	vst.idx.msk $0xffff, v52  }
0x359: {  	v28 =	vadd.s32 v27, v28;
	[tilespmem:v48+s5+$0x0] =	vst.idx.msk $0xffff, v53  }
0x35a: {  	v54 =	vmul.u32 $0x91, v50;
	[tilespmem:v29+s5+$0x0] =	vst.idx.msk $0xffff, v28  }
0x35b: {  	v28 =	vld.idx.msk [tilespmem:v50+s24+$0x0], $0xffff  }
0x35c: {  	v29 =	vadd.s32 v0, v54  }
0x35d: {  	v55 =	vadd.s32 v10, v54  }
0x35e: {  	v56 =	vadd.s32 v12, v54  }
0x35f: {  	v57 =	vadd.s32 v14, v54  }
0x360: {  	v59 =	vadd.s32 v16, v54;
	v58 =	vadd.s32 v6, v28  }
0x361: {  	v60 =	vadd.s32 v18, v54;
	[tilespmem:v29+s5+$0x0] =	vst.idx.msk $0xffff, v58;
	v29 =	vadd.s32 v11, v28  }
0x362: {  	v61 =	vadd.s32 v20, v54;
	[tilespmem:v55+s5+$0x0] =	vst.idx.msk $0xffff, v29;
	v29 =	vadd.s32 v13, v28  }
0x363: {  	v62 =	vadd.s32 v22, v54;
	[tilespmem:v56+s5+$0x0] =	vst.idx.msk $0xffff, v29;
	v29 =	vadd.s32 v15, v28  }
0x364: {  	v63 =	vadd.s32 v24, v54;
	[tilespmem:v57+s5+$0x0] =	vst.idx.msk $0xffff, v29;
	v29 =	vadd.s32 v17, v28  }
0x365: {  	v30 =	vadd.s32 v26, v54;
	[tilespmem:v59+s5+$0x0] =	vst.idx.msk $0xffff, v29;
	v29 =	vadd.s32 v19, v28  }
0x366: {  	[tilespmem:v60+s5+$0x0] =	vst.idx.msk $0xffff, v29;
	v29 =	vadd.s32 v21, v28  }
0x367: {  	[tilespmem:v61+s5+$0x0] =	vst.idx.msk $0xffff, v29;
	v29 =	vadd.s32 v23, v28  }
0x368: {  	[tilespmem:v62+s5+$0x0] =	vst.idx.msk $0xffff, v29;
	v29 =	vadd.s32 v25, v28  }
0x369: {  	v28 =	vadd.s32 v27, v28;
	[tilespmem:v63+s5+$0x0] =	vst.idx.msk $0xffff, v29  }
0x36a: {  	[tilespmem:v30+s5+$0x0] =	vst.idx.msk $0xffff, v28  }
0x36b: {  	[tilespmem:s16], [sflag:$0x1] =	stream.indirect.gather [hbm4b:s0+s25], $0x1, s3, s25, $0xb8;
	[tilespmem:$0x4D00] =	vst v63  }
0x36c: {  	_ = 	snop  }
0x36d: {  	[hbm4b:s8+s5] =	stream.linear.scatter [tilespmem:s23], [sflag:$0x2], $0x80, $0x38;
	[tilespmem:$0x4D00] =	vst v63  }
0x36e: {  	s26 =	simm.s32 $0x4C00  }
0x36f: {  	[hbm4b:s9+s5] =	stream.linear.scatter [tilespmem:s26], [sflag:$0x2], $0x40, $0x38;
	[tilespmem:$0x4D00] =	vst v63  }
0x370: {  	_ =	swait.ge [sflag:s28], $0x40  }
0x371: {  	[sflag:s28] =	ssyncset.done $0x0  }
0x372: {  	[sflag:s28] =	ssyncadd.s32 $0xFFFFFFC0  }
0x373: {  	[hbm4b:s10+s5] =	stream.linear.scatter [tilespmem:s22], [sflag:$0x2], $0x40, $0x38;
	[tilespmem:$0x4D00] =	vst v63  }
0x374: {  	_ =	swait.ge [sflag:s29], $0x910  }
0x375: {  	[sflag:s29] =	ssyncset.done $0x0  }
0x376: {  	s30 =	simm.s32 $0x2480;
	[sflag:s29] =	ssyncadd.s32 $0xFFFFF6F0  }
0x377: {  	[hbm4b:s12+s5] =	stream.linear.scatter [tilespmem:s30], [sflag:$0x2], $0x910, $0x38;
	[tilespmem:$0x4D00] =	vst v63  }
0x378: {  	_ =	swait.ge [sflag:s29], $0x910  }
0x379: {  	[sflag:s29] =	ssyncset.done $0x0  }
0x37a: {  	s31 =	simm.s32 $0x2D90;
	[sflag:s29] =	ssyncadd.s32 $0xFFFFF6F0  }
0x37b: {  	[hbm4b:s13+s5] =	stream.linear.scatter [tilespmem:s31], [sflag:$0x2], $0x910, $0x38;
	[tilespmem:$0x4D00] =	vst v63  }
0x37c: {  	_ =	swait.ge [sflag:s29], $0x910  }
0x37d: {  	[sflag:s29] =	ssyncset.done $0x0  }
0x37e: {  	[sflag:s29] =	ssyncadd.s32 $0xFFFFF6F0  }
0x37f: {  	[hbm4b:s14+s5] =	stream.linear.scatter [tilespmem:s2], [sflag:$0x2], $0x910, $0x38;
	[tilespmem:$0x4D00] =	vst v63  }
0x380: {  	_ =	swait.ge [sflag:s29], $0x910  }
0x381: {  	[sflag:s29] =	ssyncset.done $0x0  }
0x382: {  	[sflag:s29] =	ssyncadd.s32 $0xFFFFF6F0  }
0x383: {  	[hbm4b:s15+s5] =	stream.linear.scatter [tilespmem:s4], [sflag:$0x2], $0x910, $0x38;
	[tilespmem:$0x4D00] =	vst v63  }
0x384: {  	_ =	swait.ge [sflag:s19], $0x910  }
0x385: {  	[sflag:s19] =	ssyncset.done $0x0  }
0x386: {  	[sflag:s19] =	ssyncadd.s32 $0xFFFFF6F0  }
0x387: {  	_ =	swait.ge [sflag:s19], $0x910  }
0x388: {  	[sflag:s19] =	ssyncset.done $0x0  }
0x389: {  	[sflag:s19] =	ssyncadd.s32 $0xFFFFF6F0  }
0x38a: {  	_ =	swait.ge [sflag:s19], $0x910  }
0x38b: {  	[sflag:s19] =	ssyncset.done $0x0  }
0x38c: {  	[sflag:s19] =	ssyncadd.s32 $0xFFFFF6F0  }
0x38d: {  	_ =	swait.ge [sflag:s19], $0x910  }
0x38e: {  	[sflag:s19] =	ssyncset.done $0x0  }
0x38f: {  	[sflag:s19] =	ssyncadd.s32 $0xFFFFF6F0  }
0x390: {  	_ =	swait.ge [sflag:s19], $0x80  }
0x391: {  	[sflag:s19] =	ssyncset.done $0x0  }
0x392: {  	s1 =	sadd.s32 $0x1, s1;
	[sflag:s19] =	ssyncadd.s32 $0xFFFFFF80  }
0x393: {  	p0 =	sne.s32 s1, s11;
	_ =	swait.ge [sflag:s19], $0x40  }
.Ltmp1:
0x394: {  	[sflag:s19] =	ssyncset.done $0x0;
	(pc) =	sbr.rel @p0 .LBB2_1-.Ltmp1, $4  }
0x395: {  	[sflag:s19] =	ssyncadd.s32 $0xFFFFFFC0  }
0x396: {  	_ =	swait.ge [sflag:s19], $0x40  }
0x397: {  	[sflag:s19] =	ssyncset.done $0x0  }
0x398: {  	[sflag:s19] =	ssyncadd.s32 $0xFFFFFFC0  }
0x399: {  	_ =	sfence.sel $0x180000  }
0x39a: {  	[bflag:$0x0] =	sbarrier.arrive $0xFFFF  }
0x39b: {  	_ =	strace $0x90000047  }
0x39c: {  	s0 =	stileid.u32;
	[bflag:$0x2] =	sbarrier.arrive $0xFFFF  }
0x39d: {  	p0 =	sne.s32 s0, $0x0;
	s0 =	rddreg [dreg:$0x9]  }
0x39e: {  	s0 =	sadd.s32 @!p0 $0x100000, s0  }
0x39f: {  	[sflag:s0] =	ssyncadd.tile.s32 @!p0 $0x1;
	_ =	shalt  }
.Lfunc_end2:
_tile_overlayer_lowered:
.L_overlay_start_2:
0x3a0: {  	(tag) =	ssettag $0x2  }
0x3a1: {  	s0 =	rddreg [dreg:$0x0];
	s2 =	stileid.u32  }
0x3a2: {  	s1 =	rddreg [dreg:$0x1];
	p0 =	sne.s32 s2, $0x0  }
0x3a3: {  	s3 =	rddreg [dreg:$0x2];
	[bflag:$0x3] =	sbarrier.arrive $0xFFFF;
	s2 =	simm.s32 @!p0 $0x1C04  }
0x3a4: {  	[timem:s3], [sflag:s2] =	dma.local @!p0 [hbm:s0], s1  }
0x3a5: {  	s0 =	simm.s32 @!p0 $0x4  }
0x3a6: {  	_ =	swait.ge @!p0 [sflag:s0], s1  }
0x3a7: {  	s1 =	ssub.s32 @!p0 $0x0, s1;
	[sflag:s0] =	ssyncset.done @!p0 $0x0  }
0x3a8: {  	[sflag:s0] =	ssyncadd.s32 @!p0 s1  }
0x3a9: {  	[bflag:$0x3] =	sbarrier.arrive $0xFFFF  }
0x3aa: {  	_ =	shalt  }

</sc_bundles>
